<compile_context>
chip_gen: v7x
topology: tpu7x:2x2x1
jax: 0.10.2.dev20260603
libtpu: 0.0.44.dev20260713+nightly
codegen_flags: <defaults>
</compile_context>

<pallas_src>
import functools
import math

import jax
import jax.numpy as jnp
from jax import lax
from jax.experimental import pallas as pl
from jax.experimental.pallas import tpu as pltpu
from jax.experimental.pallas import tpu_sc as plsc

_NEG_T = 0.4
_POS_T = 0.5
_TBL_STRIDE = 128
_NW = 32


def _iou_match(anch_ref, gtb_ref, gtc_ref):
    a0 = anch_ref[0:1, :]
    a1 = anch_ref[1:2, :]
    a2 = anch_ref[2:3, :]
    a3 = anch_ref[3:4, :]
    gtb = gtb_ref[0]
    X1 = gtb[:, 0:1]
    Y1 = gtb[:, 1:2]
    GW = gtb[:, 2:3]
    GH = gtb[:, 3:4]
    C = gtc_ref[0]
    X2 = X1 + GW
    Y2 = Y1 + GH

    ix = jnp.maximum(jnp.minimum(a0 + a2, X2) - jnp.maximum(a0, X1), 0.0)
    iy = jnp.maximum(jnp.minimum(a1 + a3, Y2) - jnp.maximum(a1, Y1), 0.0)
    inter = ix * iy
    union = a2 * a3 + GW * GH - inter
    iou = jnp.where(union > 0.0, inter / jnp.where(union > 0.0, union, 1.0), 0.0)

    mx = jnp.max(iou, axis=0, keepdims=True)
    iota = jax.lax.broadcasted_iota(jnp.int32, iou.shape, 0)
    cand = jnp.where(iou == mx, iota, _TBL_STRIDE)
    fidx = jnp.min(cand, axis=0, keepdims=True)
    return (a0, a1, a2, a3), (X1, Y1, X2, Y2, C), iota, mx, fidx


def _encode_coefs(a, inv_h, inv_w):
    a0, a1, a2, a3 = a
    cx0 = (a0 + a2) * 0.5
    cy0 = (a1 + a3) * 0.5
    r0 = 1.0 / (a2 - a0)
    r1 = 1.0 / (a3 - a1)
    arows = [cx0 * r0, cy0 * r1, -cx0 * r0, -cy0 * r1]
    brows = [-r0 * inv_h, -r1 * inv_w, r0 * inv_h, r1 * inv_w]
    return arows, brows


def _match_kernel(anch_ref, gtb_ref, gtc_ref, idx_ref, tbl_ref, coef_ref,
                  *, inv_h, inv_w):
    n = gtb_ref.shape[1]
    a, g, _, mx, fidx = _iou_match(anch_ref, gtb_ref, gtc_ref)
    X1, Y1, X2, Y2, C = g

    variant = ((mx < _POS_T).astype(jnp.int32)
               + (mx < _NEG_T).astype(jnp.int32))
    idx_ref[0] = fidx + variant * _TBL_STRIDE

    zcol = jnp.zeros((n, 11), jnp.float32)
    base = jnp.concatenate([Y1, X1, Y2, X2], axis=1)
    tbl_ref[0, 0:n] = jnp.concatenate([base, C, zcol], axis=1)
    tbl_ref[0, _TBL_STRIDE:_TBL_STRIDE + n] = jnp.concatenate(
        [base, jnp.full((n, 1), -2.0, jnp.float32), zcol], axis=1)
    tbl_ref[0, 2 * _TBL_STRIDE:2 * _TBL_STRIDE + n] = jnp.concatenate(
        [base, jnp.full((n, 1), -1.0, jnp.float32), zcol], axis=1)

    arows, brows = _encode_coefs(a, inv_h, inv_w)
    zrow = jnp.zeros((4, arows[0].shape[1]), jnp.float32)
    coef_ref[0] = jnp.concatenate(arows + [zrow], axis=0)
    coef_ref[1] = jnp.concatenate(brows + [zrow], axis=0)


def _fused_kernel(anch_ref, gtb_ref, gtc_ref, box_ref, cls_ref,
                  *, inv_h, inv_w):
    a, g, iota, mx, fidx = _iou_match(anch_ref, gtb_ref, gtc_ref)
    X1, Y1, X2, Y2, C = g

    onehot = (iota == fidx).astype(jnp.float32)
    cols = jnp.concatenate([Y1, X1, Y2, X2, C], axis=1)
    m5 = jax.lax.dot_general(cols, onehot, (((0,), (0,)), ((), ())),
                             preferred_element_type=jnp.float32)
    gy = m5[0:1]
    gx = m5[1:2]
    gyh = m5[2:3]
    gxw = m5[3:4]
    gc = m5[4:5]

    (a0, a1, a2, a3) = a
    arows, brows = _encode_coefs(a, inv_h, inv_w)
    p10 = arows[0] + brows[0] * gy
    p11 = arows[1] + brows[1] * gx
    p20 = arows[2] + brows[2] * gyh
    p21 = arows[3] + brows[3] * gxw

    cls = jnp.where(mx >= _POS_T, gc,
                    jnp.where(mx >= _NEG_T, -2.0, -1.0))

    nan = (jnp.isnan(p10) | jnp.isnan(p11) | jnp.isnan(p20)
           | jnp.isnan(p21) | jnp.isnan(cls))
    p10 = jnp.where(nan, -2.0, p10)
    p11 = jnp.where(nan, -2.0, p11)
    p20 = jnp.where(nan, -2.0, p20)
    p21 = jnp.where(nan, -2.0, p21)
    cls = jnp.where(nan, -2.0, cls)

    box_ref[0] = jnp.concatenate([p10, p11, p20, p21], axis=0)
    cls_ref[0] = cls


def _make_sc_assign(nr, wpb, nact):

    def _sc_assign(tbl_hbm, idx_hbm, coef_hbm, box_hbm, cls_hbm,
                   idx_v, tbl_v, coef_v, obox_v, ocls_v, sem, sem2, sem3):
        wid = lax.axis_index("s") * 2 + lax.axis_index("c")

        @pl.when(wid < nact)
        def _():
            bw = lax.div(wid, wpb)
            aoff = pl.multiple_of(lax.rem(wid, wpb) * nr, 128)

            c1 = pltpu.async_copy(idx_hbm.at[bw, 0, pl.ds(aoff, nr)], idx_v,
                                  sem)
            c2 = pltpu.async_copy(tbl_hbm.at[bw], tbl_v, sem2)
            c3 = pltpu.async_copy(coef_hbm.at[:, :, pl.ds(aoff, nr)],
                                  coef_v, sem3)
            c1.wait()
            c2.wait()
            c3.wait()

            @pl.loop(0, nr // 16)
            def _(j):
                row0 = j * 16
                idx16 = idx_v[pl.ds(row0, 16)]
                for c in range(4):
                    cidx = jnp.full((16,), c, jnp.int32)
                    g = plsc.load_gather(tbl_v, [idx16, cidx])
                    a = coef_v[0, c, pl.ds(row0, 16)]
                    bb = coef_v[1, c, pl.ds(row0, 16)]
                    obox_v[c, pl.ds(row0, 16)] = a + bb * g
                ocls_v[0, pl.ds(row0, 16)] = plsc.load_gather(
                    tbl_v, [idx16, jnp.full((16,), 4, jnp.int32)])

            pltpu.sync_copy(obox_v, box_hbm.at[bw, :, pl.ds(aoff, nr)])
            pltpu.sync_copy(ocls_v, cls_hbm.at[bw, :, pl.ds(aoff, nr)])

    return _sc_assign


def kernel(images, gt_boxes, gt_classes, anchor_boxes):
    B, N = gt_boxes.shape[0], gt_boxes.shape[1]
    M = anchor_boxes.shape[0]
    H, W = images.shape[1], images.shape[2]

    bsc = B // 2
    btc = B - bsc
    nr = 768
    wpb = M // nr

    anch_t = anchor_boxes.T
    inv = dict(inv_h=1.0 / H, inv_w=1.0 / W)

    gidx, tbl, coef = pl.pallas_call(
        functools.partial(_match_kernel, **inv),
        grid=(bsc,),
        in_specs=[
            pl.BlockSpec((4, M), lambda b: (0, 0)),
            pl.BlockSpec((1, N, 4), lambda b: (b, 0, 0)),
            pl.BlockSpec((1, N, 1), lambda b: (b, 0, 0)),
        ],
        out_specs=[
            pl.BlockSpec((1, 1, M), lambda b: (b, 0, 0)),
            pl.BlockSpec((1, 3 * _TBL_STRIDE, 16), lambda b: (b, 0, 0)),
            pl.BlockSpec((2, 8, M), lambda b: (0, 0, 0)),
        ],
        out_shape=[
            jax.ShapeDtypeStruct((bsc, 1, M), jnp.int32),
            jax.ShapeDtypeStruct((bsc, 3 * _TBL_STRIDE, 16), jnp.float32),
            jax.ShapeDtypeStruct((2, 8, M), jnp.float32),
        ],
    )(anch_t, gt_boxes[:bsc], gt_classes[:bsc])

    mesh = plsc.VectorSubcoreMesh(core_axis_name="c", subcore_axis_name="s")
    sc = functools.partial(
        pl.kernel, mesh=mesh,
        compiler_params=pltpu.CompilerParams(needs_layout_passes=False,
                                             use_tc_tiling_on_sc=True),
        out_type=[
            jax.ShapeDtypeStruct((bsc, 4, M), jnp.float32),
            jax.ShapeDtypeStruct((bsc, 1, M), jnp.float32),
        ],
        scratch_types=[
            pltpu.VMEM((nr,), jnp.int32),
            pltpu.VMEM((3 * _TBL_STRIDE, 16), jnp.float32),
            pltpu.VMEM((2, 8, nr), jnp.float32),
            pltpu.VMEM((4, nr), jnp.float32),
            pltpu.VMEM((1, nr), jnp.float32),
            pltpu.SemaphoreType.DMA,
            pltpu.SemaphoreType.DMA,
            pltpu.SemaphoreType.DMA,
        ],
    )(_make_sc_assign(nr, wpb, bsc * wpb))
    box0, cls0 = sc(tbl, gidx, coef)

    boxt, clst = pl.pallas_call(
        functools.partial(_fused_kernel, **inv),
        grid=(btc,),
        in_specs=[
            pl.BlockSpec((4, M), lambda b: (0, 0)),
            pl.BlockSpec((1, N, 4), lambda b: (b, 0, 0)),
            pl.BlockSpec((1, N, 1), lambda b: (b, 0, 0)),
        ],
        out_specs=[
            pl.BlockSpec((1, 4, M), lambda b: (b, 0, 0)),
            pl.BlockSpec((1, 1, M), lambda b: (b, 0, 0)),
        ],
        out_shape=[
            jax.ShapeDtypeStruct((btc, 4, M), jnp.float32),
            jax.ShapeDtypeStruct((btc, 1, M), jnp.float32),
        ],
    )(anch_t, gt_boxes[bsc:], gt_classes[bsc:])

    box = jnp.concatenate([box0, boxt], axis=0).transpose(0, 2, 1)
    cls = jnp.concatenate([cls0, clst], axis=0)[:, 0, :]
    return box, cls

# --- scband reference (transcript-rebuilt; emitter-appended) ---
"""Pipeline reference for scband-yolov8-label-encoder-32865089749333 (READ-ONLY COPY).

The authoritative reference and input builder live on the scoring server;
editing this copy changes nothing except your own understanding.
"""

import jax, jax.numpy as jnp
import numpy as np

IMG = 512
STRIDES = [8, 16, 32]
POS_T = 0.5
NEG_T = 0.4
BACKGROUND = -1.0
IGNORE = -2.0


def _make_anchors():
    # corner-style anchors [x1, y1, x2, y2] tiling the image at 3 strides,
    # box size = 4 * stride (mirrors an AnchorGenerator output)
    levels = []
    for s in STRIDES:
        n = IMG // s
        c = (np.arange(n, dtype=np.float32) + 0.5) * s
        cy, cx = np.meshgrid(c, c, indexing='ij')
        half = 2.0 * s
        a = np.stack([cx - half, cy - half, cx + half, cy + half], axis=-1).reshape(-1, 4)
        levels.append(a)
    return jnp.asarray(np.concatenate(levels, axis=0), dtype=jnp.float32)


def setup_inputs(seed: int = 0) -> dict:
    key = jax.random.key(seed)
    k1, k2, k3, k4 = jax.random.split(key, 4)
    images = jax.random.normal(k1, (8, IMG, IMG, 3), dtype=jnp.float32)
    xy = jax.random.uniform(k2, (8, 100, 2), dtype=jnp.float32, minval=0.0, maxval=IMG * 0.75)
    wh = jax.random.uniform(k3, (8, 100, 2), dtype=jnp.float32, minval=8.0, maxval=IMG * 0.25)
    gt_boxes = jnp.concatenate([xy, wh], axis=-1)  # xywh
    gt_classes = jnp.floor(jax.random.uniform(k4, (8, 100, 1), dtype=jnp.float32, minval=0.0, maxval=80.0))
    anchor_boxes = _make_anchors()  # [5376, 4]
    return {"images": images, "gt_boxes": gt_boxes, "gt_classes": gt_classes, "anchor_boxes": anchor_boxes}


def _xywh_to_xyxy(b):
    return jnp.concatenate([b[..., :2], b[..., :2] + b[..., 2:]], axis=-1)


def _compute_iou(anchors, gt):
    # anchors [M,4], gt [B,N,4]; both interpreted as 'xywh' (as the original
    # code hardcodes). Returns [B, M, N].
    a = _xywh_to_xyxy(anchors)
    g = _xywh_to_xyxy(gt)
    lu = jnp.maximum(a[None, :, None, :2], g[:, None, :, :2])
    rd = jnp.minimum(a[None, :, None, 2:], g[:, None, :, 2:])
    inter = jnp.prod(jnp.clip(rd - lu, 0.0, None), axis=-1)  # [B,M,N]
    area_a = anchors[:, 2] * anchors[:, 3]  # w*h under xywh interpretation
    area_g = gt[..., 2] * gt[..., 3]
    union = area_a[None, :, None] + area_g[:, None, :] - inter
    return jnp.where(union > 0.0, inter / jnp.where(union > 0.0, union, 1.0), 0.0)


def _encode_boxes(boxes, anchors, images):
    # boxes [B,M,4] in 'xywh'; anchors [M,4] corner-style
    anchors_hw = anchors[:, 2:] - anchors[:, :2]
    anchors_yx = (anchors[:, :2] + anchors[:, 2:]) * 0.5
    # convert xywh -> center_xywh
    boxes = jnp.concatenate([boxes[..., :2] + 0.5 * boxes[..., 2:], boxes[..., 2:]], axis=-1)
    H, W = images.shape[1], images.shape[2]
    scale = jnp.asarray([W, H, W, H], dtype=boxes.dtype)
    boxes = boxes / scale
    boxes_xy, boxes_wh = boxes[..., :2], boxes[..., 2:]
    boxes_yx = boxes_xy[..., ::-1]
    boxes_hw = boxes_wh[..., ::-1]
    p1 = (0.5 * boxes_hw - boxes_yx + anchors_yx[None]) / anchors_hw[None]
    p2 = (0.5 * boxes_hw + boxes_yx - anchors_yx[None]) / anchors_hw[None]
    return jnp.concatenate([p1, p2], axis=-1)


def _encode_sample(images, gt_boxes, gt_classes, anchor_boxes):
    iou = _compute_iou(anchor_boxes, gt_boxes)  # [B,M,N]
    matched_gt_idx = jnp.argmax(iou, axis=-1)   # [B,M]
    max_iou = jnp.max(iou, axis=-1)             # [B,M]
    # BoxMatcher(thresholds=[0.4, 0.5], match_values=[-1, -2, 1])
    matched_vals = jnp.where(max_iou < NEG_T, -1, jnp.where(max_iou < POS_T, -2, 1))
    matched_vals = matched_vals[..., None].astype(jnp.float32)  # [B,M,1]
    positive_mask = (matched_vals == 1.0).astype(jnp.float32)
    ignore_mask = (matched_vals == -2.0).astype(jnp.float32)
    matched_gt_boxes = jnp.take_along_axis(gt_boxes, matched_gt_idx[..., None], axis=1)    # [B,M,4]
    matched_gt_cls = jnp.take_along_axis(gt_classes, matched_gt_idx[..., None], axis=1)    # [B,M,1]
    box_target = _encode_boxes(matched_gt_boxes, anchor_boxes, images)
    cls_target = jnp.where(positive_mask != 1.0, BACKGROUND, matched_gt_cls)
    cls_target = jnp.where(ignore_mask == 1.0, IGNORE, cls_target)
    label = jnp.concatenate([box_target, cls_target], axis=-1)  # [B,M,5]
    nan_mask = jnp.any(jnp.isnan(label), axis=-1, keepdims=True)
    label = jnp.where(nan_mask, IGNORE, label)
    return label


def reference(images, gt_boxes, gt_classes, anchor_boxes):
    label = _encode_sample(images, gt_boxes, gt_classes, anchor_boxes)
    encoded_box_targets = label[:, :, :4]
    class_targets = label[:, :, 4]
    return (encoded_box_targets, class_targets)

if __name__ == "__main__":
    import jax
    _d = setup_inputs()
    print(jax.jit(kernel)(*tuple(_d.values())))

</pallas_src>

<mosaic_0001>
#map = affine_map<(d0, d1) -> (0, 0, 0)>
module attributes {stable_mosaic.version = 14 : i64} {
  func.func @_sc_assign(%arg0: i32, %arg1: i32, %arg2: memref<4x384x16xf32, #tpu.memory_space<hbm>>, %arg3: memref<4x1x5376xi32, #tpu.memory_space<hbm>>, %arg4: memref<2x8x5376xf32, #tpu.memory_space<hbm>>, %arg5: memref<4x4x5376xf32, #tpu.memory_space<hbm>>, %arg6: memref<4x1x5376xf32, #tpu.memory_space<hbm>>, %arg7: memref<768xi32, #tpu.memory_space<vmem>>, %arg8: memref<384x16xf32, #tpu.memory_space<vmem>>, %arg9: memref<2x8x768xf32, #tpu.memory_space<vmem>>, %arg10: memref<4x768xf32, #tpu.memory_space<vmem>>, %arg11: memref<1x768xf32, #tpu.memory_space<vmem>>, %arg12: memref<!tpu.dma_semaphore, #tpu.memory_space<semaphore_mem>>, %arg13: memref<!tpu.dma_semaphore, #tpu.memory_space<semaphore_mem>>, %arg14: memref<!tpu.dma_semaphore, #tpu.memory_space<semaphore_mem>>) attributes {dimension_semantics = [#tpu.dimension_semantics<core_parallel>, #tpu.dimension_semantics<subcore_parallel>], iteration_bounds = array<i64: 2, 16>, scalar_prefetch = 0 : i64, scratch_operands = 8 : i64, tpu.core_type = #tpu.core_type<sc_vector_subcore>, window_params = [{transform_indices = #map}, {transform_indices = #map}, {transform_indices = #map}, {transform_indices = #map}, {transform_indices = #map}]} {
    %mul3A = arith.constant 2 : i32
    %mul3A_0 = arith.muli %arg1, %mul3A : i32
    %add3A = arith.addi %mul3A_0, %arg0 : i32
    %lt3A = arith.constant 28 : i32
    %lt3A_1 = arith.cmpi slt, %add3A, %lt3A : i32
    %convert_element_type3A = arith.extui %lt3A_1 : i1 to i32
    %cond3A = arith.constant 0 : i32
    %cond3A_2 = arith.cmpi ne, %convert_element_type3A, %cond3A : i32
    scf.if %cond3A_2 {
      %div3A = arith.constant 7 : i32
      %div3A_3 = arith.divsi %add3A, %div3A : i32
      %rem3A = arith.constant 7 : i32
      %rem3A_4 = arith.remsi %add3A, %rem3A : i32
      %mul3A_5 = arith.constant 768 : i32
      %mul3A_6 = arith.muli %rem3A_4, %mul3A_5 : i32
      %multiple_of3A = tpu.assume_multiple %mul3A_6, 128 : i32
      %dma_start3A = arith.constant 0 : i32
      %dma_start3A_7 = tpu.memref_slice %arg3[%div3A_3, %dma_start3A, %multiple_of3A] : memref<4x1x5376xi32, #tpu.memory_space<hbm>> -> memref<1x1x768xi32, #tpu.memory_space<hbm>>
      %dma_start3A_8 = tpu.memref_squeeze %dma_start3A_7 : memref<1x1x768xi32, #tpu.memory_space<hbm>> -> memref<768xi32, #tpu.memory_space<hbm>>
      %dma_start3A_9 = tpu.memref_slice %arg3[%div3A_3, %dma_start3A, %multiple_of3A] : memref<4x1x5376xi32, #tpu.memory_space<hbm>> -> memref<1x1x768xi32, #tpu.memory_space<hbm>>
      %dma_start3A_10 = tpu.memref_squeeze %dma_start3A_9 : memref<1x1x768xi32, #tpu.memory_space<hbm>> -> memref<768xi32, #tpu.memory_space<hbm>>
      tpu.enqueue_dma source(%dma_start3A_10 : memref<768xi32, #tpu.memory_space<hbm>>) target(%arg7 : memref<768xi32, #tpu.memory_space<vmem>>) target_semaphore(%arg12 : memref<!tpu.dma_semaphore, #tpu.memory_space<semaphore_mem>>)
      %dma_start3A_11 = arith.constant 0 : i32
      %dma_start3A_12 = arith.constant 0 : i32
      %dma_start3A_13 = tpu.memref_slice %arg2[%div3A_3, %dma_start3A_11, %dma_start3A_12] : memref<4x384x16xf32, #tpu.memory_space<hbm>> -> memref<1x384x16xf32, #tpu.memory_space<hbm>>
      %dma_start3A_14 = tpu.memref_squeeze %dma_start3A_13 : memref<1x384x16xf32, #tpu.memory_space<hbm>> -> memref<384x16xf32, #tpu.memory_space<hbm>>
      %dma_start3A_15 = arith.constant 0 : i32
      %dma_start3A_16 = arith.constant 0 : i32
      %dma_start3A_17 = tpu.memref_slice %arg2[%div3A_3, %dma_start3A_15, %dma_start3A_16] : memref<4x384x16xf32, #tpu.memory_space<hbm>> -> memref<1x384x16xf32, #tpu.memory_space<hbm>>
      %dma_start3A_18 = tpu.memref_squeeze %dma_start3A_17 : memref<1x384x16xf32, #tpu.memory_space<hbm>> -> memref<384x16xf32, #tpu.memory_space<hbm>>
      tpu.enqueue_dma source(%dma_start3A_18 : memref<384x16xf32, #tpu.memory_space<hbm>>) target(%arg8 : memref<384x16xf32, #tpu.memory_space<vmem>>) target_semaphore(%arg13 : memref<!tpu.dma_semaphore, #tpu.memory_space<semaphore_mem>>)
      %dma_start3A_19 = arith.constant 0 : i32
      %dma_start3A_20 = arith.constant 0 : i32
      %dma_start3A_21 = tpu.memref_slice %arg4[%dma_start3A_19, %dma_start3A_20, %multiple_of3A] : memref<2x8x5376xf32, #tpu.memory_space<hbm>> -> memref<2x8x768xf32, #tpu.memory_space<hbm>>
      %dma_start3A_22 = arith.constant 0 : i32
      %dma_start3A_23 = arith.constant 0 : i32
      %dma_start3A_24 = tpu.memref_slice %arg4[%dma_start3A_22, %dma_start3A_23, %multiple_of3A] : memref<2x8x5376xf32, #tpu.memory_space<hbm>> -> memref<2x8x768xf32, #tpu.memory_space<hbm>>
      tpu.enqueue_dma source(%dma_start3A_24 : memref<2x8x768xf32, #tpu.memory_space<hbm>>) target(%arg9 : memref<2x8x768xf32, #tpu.memory_space<vmem>>) target_semaphore(%arg14 : memref<!tpu.dma_semaphore, #tpu.memory_space<semaphore_mem>>)
      %dma_wait3A = arith.constant 0 : i32
      %dma_wait3A_25 = tpu.memref_slice %arg3[%div3A_3, %dma_wait3A, %multiple_of3A] : memref<4x1x5376xi32, #tpu.memory_space<hbm>> -> memref<1x1x768xi32, #tpu.memory_space<hbm>>
      %dma_wait3A_26 = tpu.memref_squeeze %dma_wait3A_25 : memref<1x1x768xi32, #tpu.memory_space<hbm>> -> memref<768xi32, #tpu.memory_space<hbm>>
      %dma_wait3A_27 = tpu.memref_slice %arg3[%div3A_3, %dma_wait3A, %multiple_of3A] : memref<4x1x5376xi32, #tpu.memory_space<hbm>> -> memref<1x1x768xi32, #tpu.memory_space<hbm>>
      %dma_wait3A_28 = tpu.memref_squeeze %dma_wait3A_27 : memref<1x1x768xi32, #tpu.memory_space<hbm>> -> memref<768xi32, #tpu.memory_space<hbm>>
      tpu.wait_dma2 semaphore(%arg12 : memref<!tpu.dma_semaphore, #tpu.memory_space<semaphore_mem>>) src(%dma_wait3A_28 : memref<768xi32, #tpu.memory_space<hbm>>) dst(%arg7 : memref<768xi32, #tpu.memory_space<vmem>>)
      %dma_wait3A_29 = arith.constant 0 : i32
      %dma_wait3A_30 = arith.constant 0 : i32
      %dma_wait3A_31 = tpu.memref_slice %arg2[%div3A_3, %dma_wait3A_29, %dma_wait3A_30] : memref<4x384x16xf32, #tpu.memory_space<hbm>> -> memref<1x384x16xf32, #tpu.memory_space<hbm>>
      %dma_wait3A_32 = tpu.memref_squeeze %dma_wait3A_31 : memref<1x384x16xf32, #tpu.memory_space<hbm>> -> memref<384x16xf32, #tpu.memory_space<hbm>>
      %dma_wait3A_33 = arith.constant 0 : i32
      %dma_wait3A_34 = arith.constant 0 : i32
      %dma_wait3A_35 = tpu.memref_slice %arg2[%div3A_3, %dma_wait3A_33, %dma_wait3A_34] : memref<4x384x16xf32, #tpu.memory_space<hbm>> -> memref<1x384x16xf32, #tpu.memory_space<hbm>>
      %dma_wait3A_36 = tpu.memref_squeeze %dma_wait3A_35 : memref<1x384x16xf32, #tpu.memory_space<hbm>> -> memref<384x16xf32, #tpu.memory_space<hbm>>
      tpu.wait_dma2 semaphore(%arg13 : memref<!tpu.dma_semaphore, #tpu.memory_space<semaphore_mem>>) src(%dma_wait3A_36 : memref<384x16xf32, #tpu.memory_space<hbm>>) dst(%arg8 : memref<384x16xf32, #tpu.memory_space<vmem>>)
      %dma_wait3A_37 = arith.constant 0 : i32
      %dma_wait3A_38 = arith.constant 0 : i32
      %dma_wait3A_39 = tpu.memref_slice %arg4[%dma_wait3A_37, %dma_wait3A_38, %multiple_of3A] : memref<2x8x5376xf32, #tpu.memory_space<hbm>> -> memref<2x8x768xf32, #tpu.memory_space<hbm>>
      %dma_wait3A_40 = arith.constant 0 : i32
      %dma_wait3A_41 = arith.constant 0 : i32
      %dma_wait3A_42 = tpu.memref_slice %arg4[%dma_wait3A_40, %dma_wait3A_41, %multiple_of3A] : memref<2x8x5376xf32, #tpu.memory_space<hbm>> -> memref<2x8x768xf32, #tpu.memory_space<hbm>>
      tpu.wait_dma2 semaphore(%arg14 : memref<!tpu.dma_semaphore, #tpu.memory_space<semaphore_mem>>) src(%dma_wait3A_42 : memref<2x8x768xf32, #tpu.memory_space<hbm>>) dst(%arg9 : memref<2x8x768xf32, #tpu.memory_space<vmem>>)
      %scan3A = arith.constant 0 : i32
      %scan3A_43 = arith.constant 48 : i32
      %scan3A_44 = arith.addi %scan3A, %scan3A_43 : i32
      %scan3A_45 = arith.constant 1 : i32
      scf.for %scan3A_47 = %scan3A to %scan3A_44 step %scan3A_45  : i32 {
        %mul3A_48 = arith.constant 1 : i32
        %mul3A_49 = arith.muli %scan3A_47, %mul3A_48 : i32
        %add3A_50 = arith.constant 0 : i32
        %add3A_51 = arith.addi %add3A_50, %mul3A_49 : i32
        %mul3A_52 = arith.constant 16 : i32
        %mul3A_53 = arith.muli %add3A_51, %mul3A_52 : i32
        %get3A = arith.index_cast %mul3A_53 : i32 to index
        %get3A_54 = tpu.vector_load %arg7[%get3A] {strides = array<i32>} : memref<768xi32, #tpu.memory_space<vmem>>, vector<16xi32>,
        %broadcast_in_dim3A = arith.constant 0 : i32
        %broadcast_in_dim3A_55 = vector.broadcast %broadcast_in_dim3A : i32 to vector<16xi32>
        %gather3A = tpu.vector_load_idx %arg8[%get3A_54, %broadcast_in_dim3A_55] : memref<384x16xf32, #tpu.memory_space<vmem>>[vector<16xi32>, vector<16xi32>], vector<16xf32>,
        %get3A_56 = arith.constant 0 : i32
        %get3A_57 = arith.constant 0 : i32
        %get3A_58 = arith.index_cast %get3A_56 : i32 to index
        %get3A_59 = arith.index_cast %get3A_57 : i32 to index
        %get3A_60 = arith.index_cast %mul3A_53 : i32 to index
        %get3A_61 = tpu.vector_load %arg9[%get3A_58, %get3A_59, %get3A_60] {strides = array<i32>} : memref<2x8x768xf32, #tpu.memory_space<vmem>>, vector<16xf32>,
        %get3A_62 = arith.constant 1 : i32
        %get3A_63 = arith.constant 0 : i32
        %get3A_64 = arith.index_cast %get3A_62 : i32 to index
        %get3A_65 = arith.index_cast %get3A_63 : i32 to index
        %get3A_66 = arith.index_cast %mul3A_53 : i32 to index
        %get3A_67 = tpu.vector_load %arg9[%get3A_64, %get3A_65, %get3A_66] {strides = array<i32>} : memref<2x8x768xf32, #tpu.memory_space<vmem>>, vector<16xf32>,
        %mul3A_68 = arith.mulf %get3A_67, %gather3A : vector<16xf32>
        %add3A_69 = arith.addf %get3A_61, %mul3A_68 : vector<16xf32>
        %swap3A = arith.constant 0 : i32
        %swap3A_70 = arith.index_cast %swap3A : i32 to index
        %swap3A_71 = arith.index_cast %mul3A_53 : i32 to index
        %swap3A_72 = tpu.vector_load %arg10[%swap3A_70, %swap3A_71] {strides = array<i32>} : memref<4x768xf32, #tpu.memory_space<vmem>>, vector<16xf32>,
        tpu.vector_store %arg10[%swap3A_70, %swap3A_71], %add3A_69 {strides = array<i32>} : memref<4x768xf32, #tpu.memory_space<vmem>>, vector<16xf32>,
        %broadcast_in_dim3A_73 = arith.constant 1 : i32
        %broadcast_in_dim3A_74 = vector.broadcast %broadcast_in_dim3A_73 : i32 to vector<16xi32>
        %gather3A_75 = tpu.vector_load_idx %arg8[%get3A_54, %broadcast_in_dim3A_74] : memref<384x16xf32, #tpu.memory_space<vmem>>[vector<16xi32>, vector<16xi32>], vector<16xf32>,
        %get3A_76 = arith.constant 0 : i32
        %get3A_77 = arith.constant 1 : i32
        %get3A_78 = arith.index_cast %get3A_76 : i32 to index
        %get3A_79 = arith.index_cast %get3A_77 : i32 to index
        %get3A_80 = arith.index_cast %mul3A_53 : i32 to index
        %get3A_81 = tpu.vector_load %arg9[%get3A_78, %get3A_79, %get3A_80] {strides = array<i32>} : memref<2x8x768xf32, #tpu.memory_space<vmem>>, vector<16xf32>,
        %get3A_82 = arith.constant 1 : i32
        %get3A_83 = arith.constant 1 : i32
        %get3A_84 = arith.index_cast %get3A_82 : i32 to index
        %get3A_85 = arith.index_cast %get3A_83 : i32 to index
        %get3A_86 = arith.index_cast %mul3A_53 : i32 to index
        %get3A_87 = tpu.vector_load %arg9[%get3A_84, %get3A_85, %get3A_86] {strides = array<i32>} : memref<2x8x768xf32, #tpu.memory_space<vmem>>, vector<16xf32>,
        %mul3A_88 = arith.mulf %get3A_87, %gather3A_75 : vector<16xf32>
        %add3A_89 = arith.addf %get3A_81, %mul3A_88 : vector<16xf32>
        %swap3A_90 = arith.constant 1 : i32
        %swap3A_91 = arith.index_cast %swap3A_90 : i32 to index
        %swap3A_92 = arith.index_cast %mul3A_53 : i32 to index
        %swap3A_93 = tpu.vector_load %arg10[%swap3A_91, %swap3A_92] {strides = array<i32>} : memref<4x768xf32, #tpu.memory_space<vmem>>, vector<16xf32>,
        tpu.vector_store %arg10[%swap3A_91, %swap3A_92], %add3A_89 {strides = array<i32>} : memref<4x768xf32, #tpu.memory_space<vmem>>, vector<16xf32>,
        %broadcast_in_dim3A_94 = arith.constant 2 : i32
        %broadcast_in_dim3A_95 = vector.broadcast %broadcast_in_dim3A_94 : i32 to vector<16xi32>
        %gather3A_96 = tpu.vector_load_idx %arg8[%get3A_54, %broadcast_in_dim3A_95] : memref<384x16xf32, #tpu.memory_space<vmem>>[vector<16xi32>, vector<16xi32>], vector<16xf32>,
        %get3A_97 = arith.constant 0 : i32
        %get3A_98 = arith.constant 2 : i32
        %get3A_99 = arith.index_cast %get3A_97 : i32 to index
        %get3A_100 = arith.index_cast %get3A_98 : i32 to index
        %get3A_101 = arith.index_cast %mul3A_53 : i32 to index
        %get3A_102 = tpu.vector_load %arg9[%get3A_99, %get3A_100, %get3A_101] {strides = array<i32>} : memref<2x8x768xf32, #tpu.memory_space<vmem>>, vector<16xf32>,
        %get3A_103 = arith.constant 1 : i32
        %get3A_104 = arith.constant 2 : i32
        %get3A_105 = arith.index_cast %get3A_103 : i32 to index
        %get3A_106 = arith.index_cast %get3A_104 : i32 to index
        %get3A_107 = arith.index_cast %mul3A_53 : i32 to index
        %get3A_108 = tpu.vector_load %arg9[%get3A_105, %get3A_106, %get3A_107] {strides = array<i32>} : memref<2x8x768xf32, #tpu.memory_space<vmem>>, vector<16xf32>,
        %mul3A_109 = arith.mulf %get3A_108, %gather3A_96 : vector<16xf32>
        %add3A_110 = arith.addf %get3A_102, %mul3A_109 : vector<16xf32>
        %swap3A_111 = arith.constant 2 : i32
        %swap3A_112 = arith.index_cast %swap3A_111 : i32 to index
        %swap3A_113 = arith.index_cast %mul3A_53 : i32 to index
        %swap3A_114 = tpu.vector_load %arg10[%swap3A_112, %swap3A_113] {strides = array<i32>} : memref<4x768xf32, #tpu.memory_space<vmem>>, vector<16xf32>,
        tpu.vector_store %arg10[%swap3A_112, %swap3A_113], %add3A_110 {strides = array<i32>} : memref<4x768xf32, #tpu.memory_space<vmem>>, vector<16xf32>,
        %broadcast_in_dim3A_115 = arith.constant 3 : i32
        %broadcast_in_dim3A_116 = vector.broadcast %broadcast_in_dim3A_115 : i32 to vector<16xi32>
        %gather3A_117 = tpu.vector_load_idx %arg8[%get3A_54, %broadcast_in_dim3A_116] : memref<384x16xf32, #tpu.memory_space<vmem>>[vector<16xi32>, vector<16xi32>], vector<16xf32>,
        %get3A_118 = arith.constant 0 : i32
        %get3A_119 = arith.constant 3 : i32
        %get3A_120 = arith.index_cast %get3A_118 : i32 to index
        %get3A_121 = arith.index_cast %get3A_119 : i32 to index
        %get3A_122 = arith.index_cast %mul3A_53 : i32 to index
        %get3A_123 = tpu.vector_load %arg9[%get3A_120, %get3A_121, %get3A_122] {strides = array<i32>} : memref<2x8x768xf32, #tpu.memory_space<vmem>>, vector<16xf32>,
        %get3A_124 = arith.constant 1 : i32
        %get3A_125 = arith.constant 3 : i32
        %get3A_126 = arith.index_cast %get3A_124 : i32 to index
        %get3A_127 = arith.index_cast %get3A_125 : i32 to index
        %get3A_128 = arith.index_cast %mul3A_53 : i32 to index
        %get3A_129 = tpu.vector_load %arg9[%get3A_126, %get3A_127, %get3A_128] {strides = array<i32>} : memref<2x8x768xf32, #tpu.memory_space<vmem>>, vector<16xf32>,
        %mul3A_130 = arith.mulf %get3A_129, %gather3A_117 : vector<16xf32>
        %add3A_131 = arith.addf %get3A_123, %mul3A_130 : vector<16xf32>
        %swap3A_132 = arith.constant 3 : i32
        %swap3A_133 = arith.index_cast %swap3A_132 : i32 to index
        %swap3A_134 = arith.index_cast %mul3A_53 : i32 to index
        %swap3A_135 = tpu.vector_load %arg10[%swap3A_133, %swap3A_134] {strides = array<i32>} : memref<4x768xf32, #tpu.memory_space<vmem>>, vector<16xf32>,
        tpu.vector_store %arg10[%swap3A_133, %swap3A_134], %add3A_131 {strides = array<i32>} : memref<4x768xf32, #tpu.memory_space<vmem>>, vector<16xf32>,
        %broadcast_in_dim3A_136 = arith.constant 4 : i32
        %broadcast_in_dim3A_137 = vector.broadcast %broadcast_in_dim3A_136 : i32 to vector<16xi32>
        %gather3A_138 = tpu.vector_load_idx %arg8[%get3A_54, %broadcast_in_dim3A_137] : memref<384x16xf32, #tpu.memory_space<vmem>>[vector<16xi32>, vector<16xi32>], vector<16xf32>,
        %swap3A_139 = arith.constant 0 : i32
        %swap3A_140 = arith.index_cast %swap3A_139 : i32 to index
        %swap3A_141 = arith.index_cast %mul3A_53 : i32 to index
        %swap3A_142 = tpu.vector_load %arg11[%swap3A_140, %swap3A_141] {strides = array<i32>} : memref<1x768xf32, #tpu.memory_space<vmem>>, vector<16xf32>,
        tpu.vector_store %arg11[%swap3A_140, %swap3A_141], %gather3A_138 {strides = array<i32>} : memref<1x768xf32, #tpu.memory_space<vmem>>, vector<16xf32>,
      }
      %scan3A_46 = arith.constant 48 : i32
      "tpu.region"() ({
        %run_scoped3A = tpu.sem_alloc : memref<!tpu.dma_semaphore, #tpu.memory_space<semaphore_mem>>
        %dma_start3A_47 = arith.constant 0 : i32
        %dma_start3A_48 = tpu.memref_slice %arg5[%div3A_3, %dma_start3A_47, %multiple_of3A] : memref<4x4x5376xf32, #tpu.memory_space<hbm>> -> memref<1x4x768xf32, #tpu.memory_space<hbm>>
        %dma_start3A_49 = tpu.memref_squeeze %dma_start3A_48 : memref<1x4x768xf32, #tpu.memory_space<hbm>> -> memref<4x768xf32, #tpu.memory_space<hbm>>
        %dma_start3A_50 = arith.constant 0 : i32
        %dma_start3A_51 = tpu.memref_slice %arg5[%div3A_3, %dma_start3A_50, %multiple_of3A] : memref<4x4x5376xf32, #tpu.memory_space<hbm>> -> memref<1x4x768xf32, #tpu.memory_space<hbm>>
        %dma_start3A_52 = tpu.memref_squeeze %dma_start3A_51 : memref<1x4x768xf32, #tpu.memory_space<hbm>> -> memref<4x768xf32, #tpu.memory_space<hbm>>
        tpu.enqueue_dma source(%arg10 : memref<4x768xf32, #tpu.memory_space<vmem>>) target(%dma_start3A_52 : memref<4x768xf32, #tpu.memory_space<hbm>>) target_semaphore(%run_scoped3A : memref<!tpu.dma_semaphore, #tpu.memory_space<semaphore_mem>>)
        %dma_wait3A_53 = arith.constant 0 : i32
        %dma_wait3A_54 = tpu.memref_slice %arg5[%div3A_3, %dma_wait3A_53, %multiple_of3A] : memref<4x4x5376xf32, #tpu.memory_space<hbm>> -> memref<1x4x768xf32, #tpu.memory_space<hbm>>
        %dma_wait3A_55 = tpu.memref_squeeze %dma_wait3A_54 : memref<1x4x768xf32, #tpu.memory_space<hbm>> -> memref<4x768xf32, #tpu.memory_space<hbm>>
        %dma_wait3A_56 = arith.constant 0 : i32
        %dma_wait3A_57 = tpu.memref_slice %arg5[%div3A_3, %dma_wait3A_56, %multiple_of3A] : memref<4x4x5376xf32, #tpu.memory_space<hbm>> -> memref<1x4x768xf32, #tpu.memory_space<hbm>>
        %dma_wait3A_58 = tpu.memref_squeeze %dma_wait3A_57 : memref<1x4x768xf32, #tpu.memory_space<hbm>> -> memref<4x768xf32, #tpu.memory_space<hbm>>
        tpu.wait_dma2 semaphore(%run_scoped3A : memref<!tpu.dma_semaphore, #tpu.memory_space<semaphore_mem>>) src(%arg10 : memref<4x768xf32, #tpu.memory_space<vmem>>) dst(%dma_wait3A_58 : memref<4x768xf32, #tpu.memory_space<hbm>>)
        tpu.yield
      }) : () -> ()
      "tpu.region"() ({
        %run_scoped3A = tpu.sem_alloc : memref<!tpu.dma_semaphore, #tpu.memory_space<semaphore_mem>>
        %dma_start3A_47 = arith.constant 0 : i32
        %dma_start3A_48 = tpu.memref_slice %arg6[%div3A_3, %dma_start3A_47, %multiple_of3A] : memref<4x1x5376xf32, #tpu.memory_space<hbm>> -> memref<1x1x768xf32, #tpu.memory_space<hbm>>
        %dma_start3A_49 = tpu.memref_squeeze %dma_start3A_48 : memref<1x1x768xf32, #tpu.memory_space<hbm>> -> memref<1x768xf32, #tpu.memory_space<hbm>>
        %dma_start3A_50 = arith.constant 0 : i32
        %dma_start3A_51 = tpu.memref_slice %arg6[%div3A_3, %dma_start3A_50, %multiple_of3A] : memref<4x1x5376xf32, #tpu.memory_space<hbm>> -> memref<1x1x768xf32, #tpu.memory_space<hbm>>
        %dma_start3A_52 = tpu.memref_squeeze %dma_start3A_51 : memref<1x1x768xf32, #tpu.memory_space<hbm>> -> memref<1x768xf32, #tpu.memory_space<hbm>>
        tpu.enqueue_dma source(%arg11 : memref<1x768xf32, #tpu.memory_space<vmem>>) target(%dma_start3A_52 : memref<1x768xf32, #tpu.memory_space<hbm>>) target_semaphore(%run_scoped3A : memref<!tpu.dma_semaphore, #tpu.memory_space<semaphore_mem>>)
        %dma_wait3A_53 = arith.constant 0 : i32
        %dma_wait3A_54 = tpu.memref_slice %arg6[%div3A_3, %dma_wait3A_53, %multiple_of3A] : memref<4x1x5376xf32, #tpu.memory_space<hbm>> -> memref<1x1x768xf32, #tpu.memory_space<hbm>>
        %dma_wait3A_55 = tpu.memref_squeeze %dma_wait3A_54 : memref<1x1x768xf32, #tpu.memory_space<hbm>> -> memref<1x768xf32, #tpu.memory_space<hbm>>
        %dma_wait3A_56 = arith.constant 0 : i32
        %dma_wait3A_57 = tpu.memref_slice %arg6[%div3A_3, %dma_wait3A_56, %multiple_of3A] : memref<4x1x5376xf32, #tpu.memory_space<hbm>> -> memref<1x1x768xf32, #tpu.memory_space<hbm>>
        %dma_wait3A_58 = tpu.memref_squeeze %dma_wait3A_57 : memref<1x1x768xf32, #tpu.memory_space<hbm>> -> memref<1x768xf32, #tpu.memory_space<hbm>>
        tpu.wait_dma2 semaphore(%run_scoped3A : memref<!tpu.dma_semaphore, #tpu.memory_space<semaphore_mem>>) src(%arg11 : memref<1x768xf32, #tpu.memory_space<vmem>>) dst(%dma_wait3A_58 : memref<1x768xf32, #tpu.memory_space<hbm>>)
        tpu.yield
      }) : () -> ()
    } else {
    }
    return
  }
}

module attributes {stable_mosaic.version = 14 : i64} {
  func.func @_match_kernel(%arg0: i32, %arg1: memref<4x5376xf32, #tpu.memory_space<vmem>>, %arg2: memref<1x100x4xf32, #tpu.memory_space<vmem>>, %arg3: memref<1x100x1xf32, #tpu.memory_space<vmem>>, %arg4: memref<1x1x5376xi32, #tpu.memory_space<vmem>>, %arg5: memref<1x384x16xf32, #tpu.memory_space<vmem>>, %arg6: memref<2x8x5376xf32, #tpu.memory_space<vmem>>) attributes {dimension_semantics = [#tpu.dimension_semantics<arbitrary>], iteration_bounds = array<i64: 4>, scalar_prefetch = 0 : i64, scratch_operands = 0 : i64, tpu.core_type = #tpu.core_type<tc>, window_params = [{pipeline_mode = #tpu.pipeline_mode<synchronous>, transform_indices = @transform_0, window_bounds = array<i64: 4, 5376>}, {transform_indices = @transform_1, window_bounds = array<i64: 1, 100, 4>}, {transform_indices = @transform_2, window_bounds = array<i64: 1, 100, 1>}, {transform_indices = @transform_3, window_bounds = array<i64: 1, 1, 5376>}, {transform_indices = @transform_4, window_bounds = array<i64: 1, 384, 16>}, {pipeline_mode = #tpu.pipeline_mode<synchronous>, transform_indices = @transform_5, window_bounds = array<i64: 2, 8, 5376>}]} {
    %get3A = arith.constant 0 : index
    %get3A_0 = arith.constant 0 : index
    %get3A_1 = vector.load %arg1[%get3A, %get3A_0] : memref<4x5376xf32, #tpu.memory_space<vmem>>, vector<1x5376xf32>
    %get3A_2 = arith.constant 1 : index
    %get3A_3 = arith.constant 0 : index
    %get3A_4 = vector.load %arg1[%get3A_2, %get3A_3] : memref<4x5376xf32, #tpu.memory_space<vmem>>, vector<1x5376xf32>
    %get3A_5 = arith.constant 2 : index
    %get3A_6 = arith.constant 0 : index
    %get3A_7 = vector.load %arg1[%get3A_5, %get3A_6] : memref<4x5376xf32, #tpu.memory_space<vmem>>, vector<1x5376xf32>
    %get3A_8 = arith.constant 3 : index
    %get3A_9 = arith.constant 0 : index
    %get3A_10 = vector.load %arg1[%get3A_8, %get3A_9] : memref<4x5376xf32, #tpu.memory_space<vmem>>, vector<1x5376xf32>
    %get3A_11 = arith.constant 0 : index
    %get3A_12 = arith.constant 0 : index
    %get3A_13 = arith.constant 0 : index
    %get3A_14 = vector.load %arg2[%get3A_11, %get3A_12, %get3A_13] : memref<1x100x4xf32, #tpu.memory_space<vmem>>, vector<1x100x4xf32>
    %get3A_15 = vector.shape_cast %get3A_14 : vector<1x100x4xf32> to vector<100x4xf32>
    %slice3A = vector.extract_strided_slice %get3A_15 {offsets = [0, 0], sizes = [100, 1], strides = [1, 1]} : vector<100x4xf32> to vector<100x1xf32>
    %slice3A_16 = vector.extract_strided_slice %get3A_15 {offsets = [0, 1], sizes = [100, 1], strides = [1, 1]} : vector<100x4xf32> to vector<100x1xf32>
    %slice3A_17 = vector.extract_strided_slice %get3A_15 {offsets = [0, 2], sizes = [100, 1], strides = [1, 1]} : vector<100x4xf32> to vector<100x1xf32>
    %slice3A_18 = vector.extract_strided_slice %get3A_15 {offsets = [0, 3], sizes = [100, 1], strides = [1, 1]} : vector<100x4xf32> to vector<100x1xf32>
    %get3A_19 = arith.constant 0 : index
    %get3A_20 = arith.constant 0 : index
    %get3A_21 = arith.constant 0 : index
    %get3A_22 = vector.load %arg3[%get3A_19, %get3A_20, %get3A_21] : memref<1x100x1xf32, #tpu.memory_space<vmem>>, vector<1x100x1xf32>
    %get3A_23 = vector.shape_cast %get3A_22 : vector<1x100x1xf32> to vector<100x1xf32>
    %add3A = arith.addf %slice3A, %slice3A_17 : vector<100x1xf32>
    %add3A_24 = arith.addf %slice3A_16, %slice3A_18 : vector<100x1xf32>
    %add3A_25 = arith.addf %get3A_1, %get3A_7 : vector<1x5376xf32>
    %min3A = vector.broadcast %add3A_25 : vector<1x5376xf32> to vector<100x5376xf32>
    %min3A_26 = vector.broadcast %add3A : vector<100x1xf32> to vector<100x5376xf32>
    %min3A_27 = arith.minimumf %min3A, %min3A_26 : vector<100x5376xf32>
    %max3A = vector.broadcast %get3A_1 : vector<1x5376xf32> to vector<100x5376xf32>
    %max3A_28 = vector.broadcast %slice3A : vector<100x1xf32> to vector<100x5376xf32>
    %max3A_29 = arith.maximumf %max3A, %max3A_28 : vector<100x5376xf32>
    %sub3A = arith.subf %min3A_27, %max3A_29 : vector<100x5376xf32>
    %max3A_30 = arith.constant 0.000000e+00 : f32
    %max3A_31 = vector.broadcast %max3A_30 : f32 to vector<100x5376xf32>
    %max3A_32 = arith.maximumf %sub3A, %max3A_31 : vector<100x5376xf32>
    %add3A_33 = arith.addf %get3A_4, %get3A_10 : vector<1x5376xf32>
    %min3A_34 = vector.broadcast %add3A_33 : vector<1x5376xf32> to vector<100x5376xf32>
    %min3A_35 = vector.broadcast %add3A_24 : vector<100x1xf32> to vector<100x5376xf32>
    %min3A_36 = arith.minimumf %min3A_34, %min3A_35 : vector<100x5376xf32>
    %max3A_37 = vector.broadcast %get3A_4 : vector<1x5376xf32> to vector<100x5376xf32>
    %max3A_38 = vector.broadcast %slice3A_16 : vector<100x1xf32> to vector<100x5376xf32>
    %max3A_39 = arith.maximumf %max3A_37, %max3A_38 : vector<100x5376xf32>
    %sub3A_40 = arith.subf %min3A_36, %max3A_39 : vector<100x5376xf32>
    %max3A_41 = arith.constant 0.000000e+00 : f32
    %max3A_42 = vector.broadcast %max3A_41 : f32 to vector<100x5376xf32>
    %max3A_43 = arith.maximumf %sub3A_40, %max3A_42 : vector<100x5376xf32>
    %mul3A = arith.mulf %max3A_32, %max3A_43 : vector<100x5376xf32>
    %mul3A_44 = arith.mulf %get3A_7, %get3A_10 : vector<1x5376xf32>
    %mul3A_45 = arith.mulf %slice3A_17, %slice3A_18 : vector<100x1xf32>
    %add3A_46 = vector.broadcast %mul3A_44 : vector<1x5376xf32> to vector<100x5376xf32>
    %add3A_47 = vector.broadcast %mul3A_45 : vector<100x1xf32> to vector<100x5376xf32>
    %add3A_48 = arith.addf %add3A_46, %add3A_47 : vector<100x5376xf32>
    %sub3A_49 = arith.subf %add3A_48, %mul3A : vector<100x5376xf32>
    %gt3A = arith.constant 0.000000e+00 : f32
    %gt3A_50 = vector.broadcast %gt3A : f32 to vector<100x5376xf32>
    %gt3A_51 = arith.cmpf ogt, %sub3A_49, %gt3A_50 : vector<100x5376xf32>
    %gt3A_52 = arith.constant 0.000000e+00 : f32
    %gt3A_53 = vector.broadcast %gt3A_52 : f32 to vector<100x5376xf32>
    %gt3A_54 = arith.cmpf ogt, %sub3A_49, %gt3A_53 : vector<100x5376xf32>
    %jit3A = arith.constant 1.000000e+00 : f32
    %broadcast_in_dim3A = vector.broadcast %jit3A : f32 to vector<100x5376xf32>
    %select_n3A = arith.select %gt3A_54, %sub3A_49, %broadcast_in_dim3A : vector<100x5376xi1>, vector<100x5376xf32>
    %div3A = arith.divf %mul3A, %select_n3A : vector<100x5376xf32>
    %jit3A_55 = arith.constant 0.000000e+00 : f32
    %broadcast_in_dim3A_56 = vector.broadcast %jit3A_55 : f32 to vector<100x5376xf32>
    %select_n3A_57 = arith.select %gt3A_51, %div3A, %broadcast_in_dim3A_56 : vector<100x5376xi1>, vector<100x5376xf32>
    %reduce_max3A = arith.constant dense<0xFF800000> : vector<5376xf32>
    %reduce_max3A_58 = vector.multi_reduction <maximumf>, %select_n3A_57, %reduce_max3A [0] : vector<100x5376xf32> to vector<5376xf32>
    %broadcast_in_dim3A_59 = vector.shape_cast %reduce_max3A_58 : vector<5376xf32> to vector<1x5376xf32>
    %iota3A = tpu.iota {dimensions = array<i32: 0>} : vector<100x5376xi32>
    %eq3A = vector.broadcast %broadcast_in_dim3A_59 : vector<1x5376xf32> to vector<100x5376xf32>
    %eq3A_60 = arith.cmpf oeq, %select_n3A_57, %eq3A : vector<100x5376xf32>
    %jit3A_61 = arith.constant 128 : i32
    %broadcast_in_dim3A_62 = vector.broadcast %jit3A_61 : i32 to vector<100x5376xi32>
    %select_n3A_63 = arith.select %eq3A_60, %iota3A, %broadcast_in_dim3A_62 : vector<100x5376xi1>, vector<100x5376xi32>
    %reduce_min3A = arith.constant dense<2147483647> : vector<5376xi32>
    %reduce_min3A_64 = vector.multi_reduction <minsi>, %select_n3A_63, %reduce_min3A [0] : vector<100x5376xi32> to vector<5376xi32>
    %broadcast_in_dim3A_65 = vector.shape_cast %reduce_min3A_64 : vector<5376xi32> to vector<1x5376xi32>
    %lt3A = arith.constant 5.000000e-01 : f32
    %lt3A_66 = vector.broadcast %lt3A : f32 to vector<1x5376xf32>
    %lt3A_67 = arith.cmpf olt, %broadcast_in_dim3A_59, %lt3A_66 : vector<1x5376xf32>
    %convert_element_type3A = arith.extui %lt3A_67 : vector<1x5376xi1> to vector<1x5376xi32>
    %lt3A_68 = arith.constant 4.000000e-01 : f32
    %lt3A_69 = vector.broadcast %lt3A_68 : f32 to vector<1x5376xf32>
    %lt3A_70 = arith.cmpf olt, %broadcast_in_dim3A_59, %lt3A_69 : vector<1x5376xf32>
    %convert_element_type3A_71 = arith.extui %lt3A_70 : vector<1x5376xi1> to vector<1x5376xi32>
    %add3A_72 = arith.addi %convert_element_type3A, %convert_element_type3A_71 : vector<1x5376xi32>
    %mul3A_73 = arith.constant 128 : i32
    %mul3A_74 = vector.broadcast %mul3A_73 : i32 to vector<1x5376xi32>
    %mul3A_75 = arith.muli %add3A_72, %mul3A_74 : vector<1x5376xi32>
    %add3A_76 = arith.addi %broadcast_in_dim3A_65, %mul3A_75 : vector<1x5376xi32>
    %swap3A = arith.constant 0 : index
    %swap3A_77 = arith.constant 0 : index
    %swap3A_78 = arith.constant 0 : index
    %swap3A_79 = vector.load %arg4[%swap3A, %swap3A_77, %swap3A_78] : memref<1x1x5376xi32, #tpu.memory_space<vmem>>, vector<1x1x5376xi32>
    %swap3A_80 = vector.shape_cast %swap3A_79 : vector<1x1x5376xi32> to vector<1x5376xi32>
    %swap3A_81 = vector.shape_cast %add3A_76 : vector<1x5376xi32> to vector<1x1x5376xi32>
    tpu.vector_store %arg4[%swap3A, %swap3A_77, %swap3A_78], %swap3A_81 {strides = array<i32>} : memref<1x1x5376xi32, #tpu.memory_space<vmem>>, vector<1x1x5376xi32>,
    %broadcast_in_dim3A_82 = arith.constant 0.000000e+00 : f32
    %broadcast_in_dim3A_83 = vector.broadcast %broadcast_in_dim3A_82 : f32 to vector<100x11xf32>
    %concatenate3A = tpu.concatenate %slice3A_16, %slice3A, %add3A_24, %add3A in 1 : vector<100x1xf32>, vector<100x1xf32>, vector<100x1xf32>, vector<100x1xf32> -> vector<100x4xf32>
    %concatenate3A_84 = tpu.concatenate %concatenate3A, %get3A_23, %broadcast_in_dim3A_83 in 1 : vector<100x4xf32>, vector<100x1xf32>, vector<100x11xf32> -> vector<100x16xf32>
    %swap3A_85 = arith.constant 0 : index
    %swap3A_86 = arith.constant 0 : index
    %swap3A_87 = arith.constant 0 : index
    %swap3A_88 = vector.load %arg5[%swap3A_85, %swap3A_86, %swap3A_87] : memref<1x384x16xf32, #tpu.memory_space<vmem>>, vector<1x100x16xf32>
    %swap3A_89 = vector.shape_cast %swap3A_88 : vector<1x100x16xf32> to vector<100x16xf32>
    %swap3A_90 = vector.shape_cast %concatenate3A_84 : vector<100x16xf32> to vector<1x100x16xf32>
    tpu.vector_store %arg5[%swap3A_85, %swap3A_86, %swap3A_87], %swap3A_90 {strides = array<i32>} : memref<1x384x16xf32, #tpu.memory_space<vmem>>, vector<1x100x16xf32>,
    %broadcast_in_dim3A_91 = arith.constant -2.000000e+00 : f32
    %broadcast_in_dim3A_92 = vector.broadcast %broadcast_in_dim3A_91 : f32 to vector<100x1xf32>
    %concatenate3A_93 = tpu.concatenate %concatenate3A, %broadcast_in_dim3A_92, %broadcast_in_dim3A_83 in 1 : vector<100x4xf32>, vector<100x1xf32>, vector<100x11xf32> -> vector<100x16xf32>
    %swap3A_94 = arith.constant 0 : index
    %swap3A_95 = arith.constant 128 : index
    %swap3A_96 = arith.constant 0 : index
    %swap3A_97 = vector.load %arg5[%swap3A_94, %swap3A_95, %swap3A_96] : memref<1x384x16xf32, #tpu.memory_space<vmem>>, vector<1x100x16xf32>
    %swap3A_98 = vector.shape_cast %swap3A_97 : vector<1x100x16xf32> to vector<100x16xf32>
    %swap3A_99 = vector.shape_cast %concatenate3A_93 : vector<100x16xf32> to vector<1x100x16xf32>
    tpu.vector_store %arg5[%swap3A_94, %swap3A_95, %swap3A_96], %swap3A_99 {strides = array<i32>} : memref<1x384x16xf32, #tpu.memory_space<vmem>>, vector<1x100x16xf32>,
    %broadcast_in_dim3A_100 = arith.constant -1.000000e+00 : f32
    %broadcast_in_dim3A_101 = vector.broadcast %broadcast_in_dim3A_100 : f32 to vector<100x1xf32>
    %concatenate3A_102 = tpu.concatenate %concatenate3A, %broadcast_in_dim3A_101, %broadcast_in_dim3A_83 in 1 : vector<100x4xf32>, vector<100x1xf32>, vector<100x11xf32> -> vector<100x16xf32>
    %swap3A_103 = arith.constant 0 : index
    %swap3A_104 = arith.constant 256 : index
    %swap3A_105 = arith.constant 0 : index
    %swap3A_106 = vector.load %arg5[%swap3A_103, %swap3A_104, %swap3A_105] : memref<1x384x16xf32, #tpu.memory_space<vmem>>, vector<1x100x16xf32>
    %swap3A_107 = vector.shape_cast %swap3A_106 : vector<1x100x16xf32> to vector<100x16xf32>
    %swap3A_108 = vector.shape_cast %concatenate3A_102 : vector<100x16xf32> to vector<1x100x16xf32>
    tpu.vector_store %arg5[%swap3A_103, %swap3A_104, %swap3A_105], %swap3A_108 {strides = array<i32>} : memref<1x384x16xf32, #tpu.memory_space<vmem>>, vector<1x100x16xf32>,
    %add3A_109 = arith.addf %get3A_1, %get3A_7 : vector<1x5376xf32>
    %mul3A_110 = arith.constant 5.000000e-01 : f32
    %mul3A_111 = vector.broadcast %mul3A_110 : f32 to vector<1x5376xf32>
    %mul3A_112 = arith.mulf %add3A_109, %mul3A_111 : vector<1x5376xf32>
    %add3A_113 = arith.addf %get3A_4, %get3A_10 : vector<1x5376xf32>
    %mul3A_114 = arith.constant 5.000000e-01 : f32
    %mul3A_115 = vector.broadcast %mul3A_114 : f32 to vector<1x5376xf32>
    %mul3A_116 = arith.mulf %add3A_113, %mul3A_115 : vector<1x5376xf32>
    %sub3A_117 = arith.subf %get3A_7, %get3A_1 : vector<1x5376xf32>
    %div3A_118 = arith.constant 1.000000e+00 : f32
    %div3A_119 = vector.broadcast %div3A_118 : f32 to vector<1x5376xf32>
    %div3A_120 = arith.divf %div3A_119, %sub3A_117 : vector<1x5376xf32>
    %sub3A_121 = arith.subf %get3A_10, %get3A_4 : vector<1x5376xf32>
    %div3A_122 = arith.constant 1.000000e+00 : f32
    %div3A_123 = vector.broadcast %div3A_122 : f32 to vector<1x5376xf32>
    %div3A_124 = arith.divf %div3A_123, %sub3A_121 : vector<1x5376xf32>
    %mul3A_125 = arith.mulf %mul3A_112, %div3A_120 : vector<1x5376xf32>
    %mul3A_126 = arith.mulf %mul3A_116, %div3A_124 : vector<1x5376xf32>
    %neg3A = arith.constant 0.000000e+00 : f32
    %neg3A_127 = vector.broadcast %neg3A : f32 to vector<1x5376xf32>
    %neg3A_128 = arith.subf %neg3A_127, %mul3A_112 : vector<1x5376xf32>
    %mul3A_129 = arith.mulf %neg3A_128, %div3A_120 : vector<1x5376xf32>
    %neg3A_130 = arith.constant 0.000000e+00 : f32
    %neg3A_131 = vector.broadcast %neg3A_130 : f32 to vector<1x5376xf32>
    %neg3A_132 = arith.subf %neg3A_131, %mul3A_116 : vector<1x5376xf32>
    %mul3A_133 = arith.mulf %neg3A_132, %div3A_124 : vector<1x5376xf32>
    %neg3A_134 = arith.constant 0.000000e+00 : f32
    %neg3A_135 = vector.broadcast %neg3A_134 : f32 to vector<1x5376xf32>
    %neg3A_136 = arith.subf %neg3A_135, %div3A_120 : vector<1x5376xf32>
    %mul3A_137 = arith.constant 0.001953125 : f32
    %mul3A_138 = vector.broadcast %mul3A_137 : f32 to vector<1x5376xf32>
    %mul3A_139 = arith.mulf %neg3A_136, %mul3A_138 : vector<1x5376xf32>
    %neg3A_140 = arith.constant 0.000000e+00 : f32
    %neg3A_141 = vector.broadcast %neg3A_140 : f32 to vector<1x5376xf32>
    %neg3A_142 = arith.subf %neg3A_141, %div3A_124 : vector<1x5376xf32>
    %mul3A_143 = arith.constant 0.001953125 : f32
    %mul3A_144 = vector.broadcast %mul3A_143 : f32 to vector<1x5376xf32>
    %mul3A_145 = arith.mulf %neg3A_142, %mul3A_144 : vector<1x5376xf32>
    %mul3A_146 = arith.constant 0.001953125 : f32
    %mul3A_147 = vector.broadcast %mul3A_146 : f32 to vector<1x5376xf32>
    %mul3A_148 = arith.mulf %div3A_120, %mul3A_147 : vector<1x5376xf32>
    %mul3A_149 = arith.constant 0.001953125 : f32
    %mul3A_150 = vector.broadcast %mul3A_149 : f32 to vector<1x5376xf32>
    %mul3A_151 = arith.mulf %div3A_124, %mul3A_150 : vector<1x5376xf32>
    %broadcast_in_dim3A_152 = arith.constant 0.000000e+00 : f32
    %broadcast_in_dim3A_153 = vector.broadcast %broadcast_in_dim3A_152 : f32 to vector<4x5376xf32>
    %concatenate3A_154 = tpu.concatenate %mul3A_125, %mul3A_126, %mul3A_129, %mul3A_133, %broadcast_in_dim3A_153 in 0 : vector<1x5376xf32>, vector<1x5376xf32>, vector<1x5376xf32>, vector<1x5376xf32>, vector<4x5376xf32> -> vector<8x5376xf32>
    %swap3A_155 = arith.constant 0 : index
    %swap3A_156 = arith.constant 0 : index
    %swap3A_157 = arith.constant 0 : index
    %swap3A_158 = vector.load %arg6[%swap3A_155, %swap3A_156, %swap3A_157] : memref<2x8x5376xf32, #tpu.memory_space<vmem>>, vector<1x8x5376xf32>
    %swap3A_159 = vector.shape_cast %swap3A_158 : vector<1x8x5376xf32> to vector<8x5376xf32>
    %swap3A_160 = vector.shape_cast %concatenate3A_154 : vector<8x5376xf32> to vector<1x8x5376xf32>
    tpu.vector_store %arg6[%swap3A_155, %swap3A_156, %swap3A_157], %swap3A_160 {strides = array<i32>} : memref<2x8x5376xf32, #tpu.memory_space<vmem>>, vector<1x8x5376xf32>,
    %concatenate3A_161 = tpu.concatenate %mul3A_139, %mul3A_145, %mul3A_148, %mul3A_151, %broadcast_in_dim3A_153 in 0 : vector<1x5376xf32>, vector<1x5376xf32>, vector<1x5376xf32>, vector<1x5376xf32>, vector<4x5376xf32> -> vector<8x5376xf32>
    %swap3A_162 = arith.constant 1 : index
    %swap3A_163 = arith.constant 0 : index
    %swap3A_164 = arith.constant 0 : index
    %swap3A_165 = vector.load %arg6[%swap3A_162, %swap3A_163, %swap3A_164] : memref<2x8x5376xf32, #tpu.memory_space<vmem>>, vector<1x8x5376xf32>
    %swap3A_166 = vector.shape_cast %swap3A_165 : vector<1x8x5376xf32> to vector<8x5376xf32>
    %swap3A_167 = vector.shape_cast %concatenate3A_161 : vector<8x5376xf32> to vector<1x8x5376xf32>
    tpu.vector_store %arg6[%swap3A_162, %swap3A_163, %swap3A_164], %swap3A_167 {strides = array<i32>} : memref<2x8x5376xf32, #tpu.memory_space<vmem>>, vector<1x8x5376xf32>,
    return
  }
  func.func @transform_0(%arg0: i32) -> (i32, i32) {
    %c0_i32 = arith.constant 0 : i32
    %c0_i32_0 = arith.constant 0 : i32
    %c0_i32_1 = arith.constant 0 : i32
    return %c0_i32, %c0_i32_0 : i32, i32
  }
  func.func @transform_1(%arg0: i32) -> (i32, i32, i32) {
    %c0_i32 = arith.constant 0 : i32
    %c0_i32_0 = arith.constant 0 : i32
    %c0_i32_1 = arith.constant 0 : i32
    return %arg0, %c0_i32, %c0_i32_0 : i32, i32, i32
  }
  func.func @transform_2(%arg0: i32) -> (i32, i32, i32) {
    %c0_i32 = arith.constant 0 : i32
    %c0_i32_0 = arith.constant 0 : i32
    %c0_i32_1 = arith.constant 0 : i32
    return %arg0, %c0_i32, %c0_i32_0 : i32, i32, i32
  }
  func.func @transform_3(%arg0: i32) -> (i32, i32, i32) {
    %c0_i32 = arith.constant 0 : i32
    %c0_i32_0 = arith.constant 0 : i32
    %c0_i32_1 = arith.constant 0 : i32
    return %arg0, %c0_i32, %c0_i32_0 : i32, i32, i32
  }
  func.func @transform_4(%arg0: i32) -> (i32, i32, i32) {
    %c0_i32 = arith.constant 0 : i32
    %c0_i32_0 = arith.constant 0 : i32
    %c0_i32_1 = arith.constant 0 : i32
    return %arg0, %c0_i32, %c0_i32_0 : i32, i32, i32
  }
  func.func @transform_5(%arg0: i32) -> (i32, i32, i32) {
    %c0_i32 = arith.constant 0 : i32
    %c0_i32_0 = arith.constant 0 : i32
    %c0_i32_1 = arith.constant 0 : i32
    %c0_i32_2 = arith.constant 0 : i32
    return %c0_i32, %c0_i32_0, %c0_i32_1 : i32, i32, i32
  }
}

module attributes {stable_mosaic.version = 14 : i64} {
  func.func @_fused_kernel(%arg0: i32, %arg1: memref<4x5376xf32, #tpu.memory_space<vmem>>, %arg2: memref<1x100x4xf32, #tpu.memory_space<vmem>>, %arg3: memref<1x100x1xf32, #tpu.memory_space<vmem>>, %arg4: memref<1x4x5376xf32, #tpu.memory_space<vmem>>, %arg5: memref<1x1x5376xf32, #tpu.memory_space<vmem>>) attributes {dimension_semantics = [#tpu.dimension_semantics<arbitrary>], iteration_bounds = array<i64: 4>, scalar_prefetch = 0 : i64, scratch_operands = 0 : i64, tpu.core_type = #tpu.core_type<tc>, window_params = [{pipeline_mode = #tpu.pipeline_mode<synchronous>, transform_indices = @transform_0, window_bounds = array<i64: 4, 5376>}, {transform_indices = @transform_1, window_bounds = array<i64: 1, 100, 4>}, {transform_indices = @transform_2, window_bounds = array<i64: 1, 100, 1>}, {transform_indices = @transform_3, window_bounds = array<i64: 1, 4, 5376>}, {transform_indices = @transform_4, window_bounds = array<i64: 1, 1, 5376>}]} {
    %get3A = arith.constant 0 : index
    %get3A_0 = arith.constant 0 : index
    %get3A_1 = vector.load %arg1[%get3A, %get3A_0] : memref<4x5376xf32, #tpu.memory_space<vmem>>, vector<1x5376xf32>
    %get3A_2 = arith.constant 1 : index
    %get3A_3 = arith.constant 0 : index
    %get3A_4 = vector.load %arg1[%get3A_2, %get3A_3] : memref<4x5376xf32, #tpu.memory_space<vmem>>, vector<1x5376xf32>
    %get3A_5 = arith.constant 2 : index
    %get3A_6 = arith.constant 0 : index
    %get3A_7 = vector.load %arg1[%get3A_5, %get3A_6] : memref<4x5376xf32, #tpu.memory_space<vmem>>, vector<1x5376xf32>
    %get3A_8 = arith.constant 3 : index
    %get3A_9 = arith.constant 0 : index
    %get3A_10 = vector.load %arg1[%get3A_8, %get3A_9] : memref<4x5376xf32, #tpu.memory_space<vmem>>, vector<1x5376xf32>
    %get3A_11 = arith.constant 0 : index
    %get3A_12 = arith.constant 0 : index
    %get3A_13 = arith.constant 0 : index
    %get3A_14 = vector.load %arg2[%get3A_11, %get3A_12, %get3A_13] : memref<1x100x4xf32, #tpu.memory_space<vmem>>, vector<1x100x4xf32>
    %get3A_15 = vector.shape_cast %get3A_14 : vector<1x100x4xf32> to vector<100x4xf32>
    %slice3A = vector.extract_strided_slice %get3A_15 {offsets = [0, 0], sizes = [100, 1], strides = [1, 1]} : vector<100x4xf32> to vector<100x1xf32>
    %slice3A_16 = vector.extract_strided_slice %get3A_15 {offsets = [0, 1], sizes = [100, 1], strides = [1, 1]} : vector<100x4xf32> to vector<100x1xf32>
    %slice3A_17 = vector.extract_strided_slice %get3A_15 {offsets = [0, 2], sizes = [100, 1], strides = [1, 1]} : vector<100x4xf32> to vector<100x1xf32>
    %slice3A_18 = vector.extract_strided_slice %get3A_15 {offsets = [0, 3], sizes = [100, 1], strides = [1, 1]} : vector<100x4xf32> to vector<100x1xf32>
    %get3A_19 = arith.constant 0 : index
    %get3A_20 = arith.constant 0 : index
    %get3A_21 = arith.constant 0 : index
    %get3A_22 = vector.load %arg3[%get3A_19, %get3A_20, %get3A_21] : memref<1x100x1xf32, #tpu.memory_space<vmem>>, vector<1x100x1xf32>
    %get3A_23 = vector.shape_cast %get3A_22 : vector<1x100x1xf32> to vector<100x1xf32>
    %add3A = arith.addf %slice3A, %slice3A_17 : vector<100x1xf32>
    %add3A_24 = arith.addf %slice3A_16, %slice3A_18 : vector<100x1xf32>
    %add3A_25 = arith.addf %get3A_1, %get3A_7 : vector<1x5376xf32>
    %min3A = vector.broadcast %add3A_25 : vector<1x5376xf32> to vector<100x5376xf32>
    %min3A_26 = vector.broadcast %add3A : vector<100x1xf32> to vector<100x5376xf32>
    %min3A_27 = arith.minimumf %min3A, %min3A_26 : vector<100x5376xf32>
    %max3A = vector.broadcast %get3A_1 : vector<1x5376xf32> to vector<100x5376xf32>
    %max3A_28 = vector.broadcast %slice3A : vector<100x1xf32> to vector<100x5376xf32>
    %max3A_29 = arith.maximumf %max3A, %max3A_28 : vector<100x5376xf32>
    %sub3A = arith.subf %min3A_27, %max3A_29 : vector<100x5376xf32>
    %max3A_30 = arith.constant 0.000000e+00 : f32
    %max3A_31 = vector.broadcast %max3A_30 : f32 to vector<100x5376xf32>
    %max3A_32 = arith.maximumf %sub3A, %max3A_31 : vector<100x5376xf32>
    %add3A_33 = arith.addf %get3A_4, %get3A_10 : vector<1x5376xf32>
    %min3A_34 = vector.broadcast %add3A_33 : vector<1x5376xf32> to vector<100x5376xf32>
    %min3A_35 = vector.broadcast %add3A_24 : vector<100x1xf32> to vector<100x5376xf32>
    %min3A_36 = arith.minimumf %min3A_34, %min3A_35 : vector<100x5376xf32>
    %max3A_37 = vector.broadcast %get3A_4 : vector<1x5376xf32> to vector<100x5376xf32>
    %max3A_38 = vector.broadcast %slice3A_16 : vector<100x1xf32> to vector<100x5376xf32>
    %max3A_39 = arith.maximumf %max3A_37, %max3A_38 : vector<100x5376xf32>
    %sub3A_40 = arith.subf %min3A_36, %max3A_39 : vector<100x5376xf32>
    %max3A_41 = arith.constant 0.000000e+00 : f32
    %max3A_42 = vector.broadcast %max3A_41 : f32 to vector<100x5376xf32>
    %max3A_43 = arith.maximumf %sub3A_40, %max3A_42 : vector<100x5376xf32>
    %mul3A = arith.mulf %max3A_32, %max3A_43 : vector<100x5376xf32>
    %mul3A_44 = arith.mulf %get3A_7, %get3A_10 : vector<1x5376xf32>
    %mul3A_45 = arith.mulf %slice3A_17, %slice3A_18 : vector<100x1xf32>
    %add3A_46 = vector.broadcast %mul3A_44 : vector<1x5376xf32> to vector<100x5376xf32>
    %add3A_47 = vector.broadcast %mul3A_45 : vector<100x1xf32> to vector<100x5376xf32>
    %add3A_48 = arith.addf %add3A_46, %add3A_47 : vector<100x5376xf32>
    %sub3A_49 = arith.subf %add3A_48, %mul3A : vector<100x5376xf32>
    %gt3A = arith.constant 0.000000e+00 : f32
    %gt3A_50 = vector.broadcast %gt3A : f32 to vector<100x5376xf32>
    %gt3A_51 = arith.cmpf ogt, %sub3A_49, %gt3A_50 : vector<100x5376xf32>
    %gt3A_52 = arith.constant 0.000000e+00 : f32
    %gt3A_53 = vector.broadcast %gt3A_52 : f32 to vector<100x5376xf32>
    %gt3A_54 = arith.cmpf ogt, %sub3A_49, %gt3A_53 : vector<100x5376xf32>
    %jit3A = arith.constant 1.000000e+00 : f32
    %broadcast_in_dim3A = vector.broadcast %jit3A : f32 to vector<100x5376xf32>
    %select_n3A = arith.select %gt3A_54, %sub3A_49, %broadcast_in_dim3A : vector<100x5376xi1>, vector<100x5376xf32>
    %div3A = arith.divf %mul3A, %select_n3A : vector<100x5376xf32>
    %jit3A_55 = arith.constant 0.000000e+00 : f32
    %broadcast_in_dim3A_56 = vector.broadcast %jit3A_55 : f32 to vector<100x5376xf32>
    %select_n3A_57 = arith.select %gt3A_51, %div3A, %broadcast_in_dim3A_56 : vector<100x5376xi1>, vector<100x5376xf32>
    %reduce_max3A = arith.constant dense<0xFF800000> : vector<5376xf32>
    %reduce_max3A_58 = vector.multi_reduction <maximumf>, %select_n3A_57, %reduce_max3A [0] : vector<100x5376xf32> to vector<5376xf32>
    %broadcast_in_dim3A_59 = vector.shape_cast %reduce_max3A_58 : vector<5376xf32> to vector<1x5376xf32>
    %iota3A = tpu.iota {dimensions = array<i32: 0>} : vector<100x5376xi32>
    %eq3A = vector.broadcast %broadcast_in_dim3A_59 : vector<1x5376xf32> to vector<100x5376xf32>
    %eq3A_60 = arith.cmpf oeq, %select_n3A_57, %eq3A : vector<100x5376xf32>
    %jit3A_61 = arith.constant 128 : i32
    %broadcast_in_dim3A_62 = vector.broadcast %jit3A_61 : i32 to vector<100x5376xi32>
    %select_n3A_63 = arith.select %eq3A_60, %iota3A, %broadcast_in_dim3A_62 : vector<100x5376xi1>, vector<100x5376xi32>
    %reduce_min3A = arith.constant dense<2147483647> : vector<5376xi32>
    %reduce_min3A_64 = vector.multi_reduction <minsi>, %select_n3A_63, %reduce_min3A [0] : vector<100x5376xi32> to vector<5376xi32>
    %broadcast_in_dim3A_65 = vector.shape_cast %reduce_min3A_64 : vector<5376xi32> to vector<1x5376xi32>
    %eq3A_66 = vector.broadcast %broadcast_in_dim3A_65 : vector<1x5376xi32> to vector<100x5376xi32>
    %eq3A_67 = arith.cmpi eq, %iota3A, %eq3A_66 : vector<100x5376xi32>
    %convert_element_type3A = arith.extui %eq3A_67 : vector<100x5376xi1> to vector<100x5376xi32>
    %convert_element_type3A_68 = arith.sitofp %convert_element_type3A : vector<100x5376xi32> to vector<100x5376xf32>
    %concatenate3A = tpu.concatenate %slice3A_16, %slice3A, %add3A_24, %add3A, %get3A_23 in 1 : vector<100x1xf32>, vector<100x1xf32>, vector<100x1xf32>, vector<100x1xf32>, vector<100x1xf32> -> vector<100x5xf32>
    %dot_general3A = arith.constant dense<0.000000e+00> : vector<5x5376xf32>
    %dot_general3A_69 = tpu.matmul %concatenate3A, %convert_element_type3A_68, %dot_general3A {dimension_numbers = #tpu.dot_dimension_numbers<[0], [0], [1], [1], [0, 1, 1, 1], [], []>, transpose_lhs_hint = false} : vector<100x5xf32>, vector<100x5376xf32>, vector<5x5376xf32> -> vector<5x5376xf32>
    %slice3A_70 = vector.extract_strided_slice %dot_general3A_69 {offsets = [0, 0], sizes = [1, 5376], strides = [1, 1]} : vector<5x5376xf32> to vector<1x5376xf32>
    %slice3A_71 = vector.extract_strided_slice %dot_general3A_69 {offsets = [1, 0], sizes = [1, 5376], strides = [1, 1]} : vector<5x5376xf32> to vector<1x5376xf32>
    %slice3A_72 = vector.extract_strided_slice %dot_general3A_69 {offsets = [2, 0], sizes = [1, 5376], strides = [1, 1]} : vector<5x5376xf32> to vector<1x5376xf32>
    %slice3A_73 = vector.extract_strided_slice %dot_general3A_69 {offsets = [3, 0], sizes = [1, 5376], strides = [1, 1]} : vector<5x5376xf32> to vector<1x5376xf32>
    %slice3A_74 = vector.extract_strided_slice %dot_general3A_69 {offsets = [4, 0], sizes = [1, 5376], strides = [1, 1]} : vector<5x5376xf32> to vector<1x5376xf32>
    %add3A_75 = arith.addf %get3A_1, %get3A_7 : vector<1x5376xf32>
    %mul3A_76 = arith.constant 5.000000e-01 : f32
    %mul3A_77 = vector.broadcast %mul3A_76 : f32 to vector<1x5376xf32>
    %mul3A_78 = arith.mulf %add3A_75, %mul3A_77 : vector<1x5376xf32>
    %add3A_79 = arith.addf %get3A_4, %get3A_10 : vector<1x5376xf32>
    %mul3A_80 = arith.constant 5.000000e-01 : f32
    %mul3A_81 = vector.broadcast %mul3A_80 : f32 to vector<1x5376xf32>
    %mul3A_82 = arith.mulf %add3A_79, %mul3A_81 : vector<1x5376xf32>
    %sub3A_83 = arith.subf %get3A_7, %get3A_1 : vector<1x5376xf32>
    %div3A_84 = arith.constant 1.000000e+00 : f32
    %div3A_85 = vector.broadcast %div3A_84 : f32 to vector<1x5376xf32>
    %div3A_86 = arith.divf %div3A_85, %sub3A_83 : vector<1x5376xf32>
    %sub3A_87 = arith.subf %get3A_10, %get3A_4 : vector<1x5376xf32>
    %div3A_88 = arith.constant 1.000000e+00 : f32
    %div3A_89 = vector.broadcast %div3A_88 : f32 to vector<1x5376xf32>
    %div3A_90 = arith.divf %div3A_89, %sub3A_87 : vector<1x5376xf32>
    %mul3A_91 = arith.mulf %mul3A_78, %div3A_86 : vector<1x5376xf32>
    %mul3A_92 = arith.mulf %mul3A_82, %div3A_90 : vector<1x5376xf32>
    %neg3A = arith.constant 0.000000e+00 : f32
    %neg3A_93 = vector.broadcast %neg3A : f32 to vector<1x5376xf32>
    %neg3A_94 = arith.subf %neg3A_93, %mul3A_78 : vector<1x5376xf32>
    %mul3A_95 = arith.mulf %neg3A_94, %div3A_86 : vector<1x5376xf32>
    %neg3A_96 = arith.constant 0.000000e+00 : f32
    %neg3A_97 = vector.broadcast %neg3A_96 : f32 to vector<1x5376xf32>
    %neg3A_98 = arith.subf %neg3A_97, %mul3A_82 : vector<1x5376xf32>
    %mul3A_99 = arith.mulf %neg3A_98, %div3A_90 : vector<1x5376xf32>
    %neg3A_100 = arith.constant 0.000000e+00 : f32
    %neg3A_101 = vector.broadcast %neg3A_100 : f32 to vector<1x5376xf32>
    %neg3A_102 = arith.subf %neg3A_101, %div3A_86 : vector<1x5376xf32>
    %mul3A_103 = arith.constant 0.001953125 : f32
    %mul3A_104 = vector.broadcast %mul3A_103 : f32 to vector<1x5376xf32>
    %mul3A_105 = arith.mulf %neg3A_102, %mul3A_104 : vector<1x5376xf32>
    %neg3A_106 = arith.constant 0.000000e+00 : f32
    %neg3A_107 = vector.broadcast %neg3A_106 : f32 to vector<1x5376xf32>
    %neg3A_108 = arith.subf %neg3A_107, %div3A_90 : vector<1x5376xf32>
    %mul3A_109 = arith.constant 0.001953125 : f32
    %mul3A_110 = vector.broadcast %mul3A_109 : f32 to vector<1x5376xf32>
    %mul3A_111 = arith.mulf %neg3A_108, %mul3A_110 : vector<1x5376xf32>
    %mul3A_112 = arith.constant 0.001953125 : f32
    %mul3A_113 = vector.broadcast %mul3A_112 : f32 to vector<1x5376xf32>
    %mul3A_114 = arith.mulf %div3A_86, %mul3A_113 : vector<1x5376xf32>
    %mul3A_115 = arith.constant 0.001953125 : f32
    %mul3A_116 = vector.broadcast %mul3A_115 : f32 to vector<1x5376xf32>
    %mul3A_117 = arith.mulf %div3A_90, %mul3A_116 : vector<1x5376xf32>
    %mul3A_118 = arith.mulf %mul3A_105, %slice3A_70 : vector<1x5376xf32>
    %add3A_119 = arith.addf %mul3A_91, %mul3A_118 : vector<1x5376xf32>
    %mul3A_120 = arith.mulf %mul3A_111, %slice3A_71 : vector<1x5376xf32>
    %add3A_121 = arith.addf %mul3A_92, %mul3A_120 : vector<1x5376xf32>
    %mul3A_122 = arith.mulf %mul3A_114, %slice3A_72 : vector<1x5376xf32>
    %add3A_123 = arith.addf %mul3A_95, %mul3A_122 : vector<1x5376xf32>
    %mul3A_124 = arith.mulf %mul3A_117, %slice3A_73 : vector<1x5376xf32>
    %add3A_125 = arith.addf %mul3A_99, %mul3A_124 : vector<1x5376xf32>
    %ge3A = arith.constant 5.000000e-01 : f32
    %ge3A_126 = vector.broadcast %ge3A : f32 to vector<1x5376xf32>
    %ge3A_127 = arith.cmpf oge, %broadcast_in_dim3A_59, %ge3A_126 : vector<1x5376xf32>
    %ge3A_128 = arith.constant 4.000000e-01 : f32
    %ge3A_129 = vector.broadcast %ge3A_128 : f32 to vector<1x5376xf32>
    %ge3A_130 = arith.cmpf oge, %broadcast_in_dim3A_59, %ge3A_129 : vector<1x5376xf32>
    %jit3A_131 = arith.constant -2.000000e+00 : f32
    %jit3A_132 = arith.constant -1.000000e+00 : f32
    %broadcast_in_dim3A_133 = vector.broadcast %jit3A_131 : f32 to vector<1x5376xf32>
    %broadcast_in_dim3A_134 = vector.broadcast %jit3A_132 : f32 to vector<1x5376xf32>
    %select_n3A_135 = arith.select %ge3A_130, %broadcast_in_dim3A_133, %broadcast_in_dim3A_134 : vector<1x5376xi1>, vector<1x5376xf32>
    %select_n3A_136 = arith.select %ge3A_127, %slice3A_74, %select_n3A_135 : vector<1x5376xi1>, vector<1x5376xf32>
    %ne3A = arith.cmpf one, %add3A_119, %add3A_119 : vector<1x5376xf32>
    %ne3A_137 = arith.cmpf one, %add3A_121, %add3A_121 : vector<1x5376xf32>
    %or3A = arith.ori %ne3A, %ne3A_137 : vector<1x5376xi1>
    %ne3A_138 = arith.cmpf one, %add3A_123, %add3A_123 : vector<1x5376xf32>
    %or3A_139 = arith.ori %or3A, %ne3A_138 : vector<1x5376xi1>
    %ne3A_140 = arith.cmpf one, %add3A_125, %add3A_125 : vector<1x5376xf32>
    %or3A_141 = arith.ori %or3A_139, %ne3A_140 : vector<1x5376xi1>
    %ne3A_142 = arith.cmpf one, %select_n3A_136, %select_n3A_136 : vector<1x5376xf32>
    %or3A_143 = arith.ori %or3A_141, %ne3A_142 : vector<1x5376xi1>
    %jit3A_144 = arith.constant -2.000000e+00 : f32
    %broadcast_in_dim3A_145 = vector.broadcast %jit3A_144 : f32 to vector<1x5376xf32>
    %select_n3A_146 = arith.select %or3A_143, %broadcast_in_dim3A_145, %add3A_119 : vector<1x5376xi1>, vector<1x5376xf32>
    %jit3A_147 = arith.constant -2.000000e+00 : f32
    %broadcast_in_dim3A_148 = vector.broadcast %jit3A_147 : f32 to vector<1x5376xf32>
    %select_n3A_149 = arith.select %or3A_143, %broadcast_in_dim3A_148, %add3A_121 : vector<1x5376xi1>, vector<1x5376xf32>
    %jit3A_150 = arith.constant -2.000000e+00 : f32
    %broadcast_in_dim3A_151 = vector.broadcast %jit3A_150 : f32 to vector<1x5376xf32>
    %select_n3A_152 = arith.select %or3A_143, %broadcast_in_dim3A_151, %add3A_123 : vector<1x5376xi1>, vector<1x5376xf32>
    %jit3A_153 = arith.constant -2.000000e+00 : f32
    %broadcast_in_dim3A_154 = vector.broadcast %jit3A_153 : f32 to vector<1x5376xf32>
    %select_n3A_155 = arith.select %or3A_143, %broadcast_in_dim3A_154, %add3A_125 : vector<1x5376xi1>, vector<1x5376xf32>
    %jit3A_156 = arith.constant -2.000000e+00 : f32
    %broadcast_in_dim3A_157 = vector.broadcast %jit3A_156 : f32 to vector<1x5376xf32>
    %select_n3A_158 = arith.select %or3A_143, %broadcast_in_dim3A_157, %select_n3A_136 : vector<1x5376xi1>, vector<1x5376xf32>
    %concatenate3A_159 = tpu.concatenate %select_n3A_146, %select_n3A_149, %select_n3A_152, %select_n3A_155 in 0 : vector<1x5376xf32>, vector<1x5376xf32>, vector<1x5376xf32>, vector<1x5376xf32> -> vector<4x5376xf32>
    %swap3A = arith.constant 0 : index
    %swap3A_160 = arith.constant 0 : index
    %swap3A_161 = arith.constant 0 : index
    %swap3A_162 = vector.load %arg4[%swap3A, %swap3A_160, %swap3A_161] : memref<1x4x5376xf32, #tpu.memory_space<vmem>>, vector<1x4x5376xf32>
    %swap3A_163 = vector.shape_cast %swap3A_162 : vector<1x4x5376xf32> to vector<4x5376xf32>
    %swap3A_164 = vector.shape_cast %concatenate3A_159 : vector<4x5376xf32> to vector<1x4x5376xf32>
    tpu.vector_store %arg4[%swap3A, %swap3A_160, %swap3A_161], %swap3A_164 {strides = array<i32>} : memref<1x4x5376xf32, #tpu.memory_space<vmem>>, vector<1x4x5376xf32>,
    %swap3A_165 = arith.constant 0 : index
    %swap3A_166 = arith.constant 0 : index
    %swap3A_167 = arith.constant 0 : index
    %swap3A_168 = vector.load %arg5[%swap3A_165, %swap3A_166, %swap3A_167] : memref<1x1x5376xf32, #tpu.memory_space<vmem>>, vector<1x1x5376xf32>
    %swap3A_169 = vector.shape_cast %swap3A_168 : vector<1x1x5376xf32> to vector<1x5376xf32>
    %swap3A_170 = vector.shape_cast %select_n3A_158 : vector<1x5376xf32> to vector<1x1x5376xf32>
    tpu.vector_store %arg5[%swap3A_165, %swap3A_166, %swap3A_167], %swap3A_170 {strides = array<i32>} : memref<1x1x5376xf32, #tpu.memory_space<vmem>>, vector<1x1x5376xf32>,
    return
  }
  func.func @transform_0(%arg0: i32) -> (i32, i32) {
    %c0_i32 = arith.constant 0 : i32
    %c0_i32_0 = arith.constant 0 : i32
    %c0_i32_1 = arith.constant 0 : i32
    return %c0_i32, %c0_i32_0 : i32, i32
  }
  func.func @transform_1(%arg0: i32) -> (i32, i32, i32) {
    %c0_i32 = arith.constant 0 : i32
    %c0_i32_0 = arith.constant 0 : i32
    %c0_i32_1 = arith.constant 0 : i32
    return %arg0, %c0_i32, %c0_i32_0 : i32, i32, i32
  }
  func.func @transform_2(%arg0: i32) -> (i32, i32, i32) {
    %c0_i32 = arith.constant 0 : i32
    %c0_i32_0 = arith.constant 0 : i32
    %c0_i32_1 = arith.constant 0 : i32
    return %arg0, %c0_i32, %c0_i32_0 : i32, i32, i32
  }
  func.func @transform_3(%arg0: i32) -> (i32, i32, i32) {
    %c0_i32 = arith.constant 0 : i32
    %c0_i32_0 = arith.constant 0 : i32
    %c0_i32_1 = arith.constant 0 : i32
    return %arg0, %c0_i32, %c0_i32_0 : i32, i32, i32
  }
  func.func @transform_4(%arg0: i32) -> (i32, i32, i32) {
    %c0_i32 = arith.constant 0 : i32
    %c0_i32_0 = arith.constant 0 : i32
    %c0_i32_1 = arith.constant 0 : i32
    return %arg0, %c0_i32, %c0_i32_0 : i32, i32, i32
  }
}

</mosaic_0001>

<sc_bundles>
// kernel: kernel.5.cloned.1.call-start
scs
__scs_entry_jumppad:
0x0: {  	(pc) =	sbr.rel $0x88, $3  }
0x1: {  	(tag) =	ssettag $0x0;
	lr =	simm.s32 $0x1  }
0x2: {  	[smem:$0x3F9E] =	sst lr;
	_ =	strace $0xD0000000  }
0x3: {  	_ = 	snop  }
0x4: {  	_ = 	snop  }
0x5: {  	_ = 	snop  }
0x6: {  	_ = 	snop  }
0x7: {  	_ = 	snop  }
__scs_overlays_trampoline_lowered:
0x8: {  	[smem:$0x3FAD] =	sst s0  }
0x9: {  	[smem:$0x3FAE] =	sst s1  }
0xa: {  	[smem:$0x3FAF] =	sst s2  }
0xb: {  	[smem:$0x3FB0] =	sst s3  }
0xc: {  	[smem:$0x3FB1] =	sst s4  }
0xd: {  	[smem:$0x3FB2] =	sst s5  }
0xe: {  	[smem:$0x3FB3] =	sst s6  }
0xf: {  	[smem:$0x3FB4] =	sst s7  }
0x10: {  	[smem:$0x3FB5] =	sst s8  }
0x11: {  	[smem:$0x3FB6] =	sst s9;
	s0 =	simm.s32 @!p0 $0x0  }
0x12: {  	s1 =	sld [smem:$0x3F9C];
	s0 =	simm.s32 @p0 $0x1  }
0x13: {  	[smem:$0x3FB7] =	sst s0;
	s0 =	simm.s32 @!p1 $0x0  }
0x14: {  	s2 =	sld [smem:$0x3F9B];
	s0 =	simm.s32 @p1 $0x1  }
0x15: {  	[smem:$0x3FB8] =	sst s0;
	s0 =	simm.s32 @!p2 $0x0  }
0x16: {  	s3 =	sld [smem:$0x3FDB];
	s0 =	simm.s32 @p2 $0x1  }
0x17: {  	s4 =	simm.s32 $0x1BF5;
	[smem:$0x3FBA] =	sst s0  }
0x18: {  	s0 =	sld [smem:$0x3F9D];
	_ =	swait.ge [sflag:s4], $0x0  }
0x19: {  	s7 =	sld [smem:$0x3F9E]  }
0x1a: {  	s8 =	sadd.s32 $0xFFFFE003, lr  }
0x1b: {  	s9 =	sadd.s32 $0xFFFFFEF7, lr;
	s5 =	simm.s32 $0xFFFFFFFF;
	p2 =	slt.u32 s8, $0xFFFFF086  }
0x1c: {  	p1 =	slt.u32 s9, $0xF7A;
	s5 =	simm.s32 @!p2 $0x0  }
0x1d: {  	s5 =	simm.s32 @p1 $0x1;
	p0 =	seq.s32 s7, s2  }
0x1e: {  	s7 =	smul.u32 @!p0 $0xF7A, s2;
	p2 =	seq.s32 @!p0 s5, $0x0  }
0x1f: {  	s9 =	smul.u32 $0xF7A, s1;
	s8 =	simm.s32 @!p0 $0x1BF5;
	p2 =	por !p2, p0  }
0x20: {  	[sflag:s8] =	ssyncset.s32 @!p0 $0xFFFFF086;
	s6 =	sadd.s32 @!p0 s3, s7;
	s7 =	simm.s32 @!p0 $0x108  }
0x21: {  	s3 =	sadd.s32 s3, s9;
	s6 =	sadd.s32 @!p0 $0x88, s6;
	s7 =	simm.s32 @p2 $0x1082  }
0x22: {  	[simem:s7], [sflag:s8] =	dma.local @!p0 [hbm:s6], $0xF7A  }
0x23: {  	s9 =	sor.u32 $0xD0000000, s2;
	s6 =	simm.s32 $0x108;
	_ =	swait.ge @!p0 [sflag:s8], $0x0  }
0x24: {  	s3 =	sadd.s32 $0x88, s3;
	s6 =	simm.s32 @!p1 $0x1082;
	[sflag:s4] =	ssyncset.s32 $0xFFFFF086  }
0x25: {  	[simem:s6], [sflag:s4] =	dma.local [hbm:s3], $0xF7A  }
0x26: {  	[smem:$0x3F9E] =	sst s1;
	(tag) =	ssettag s2;
	_ =	strace s9  }
0x27: {  	s1 =	sld [smem:$0x3FAE]  }
0x28: {  	s2 =	sld [smem:$0x3FAF]  }
0x29: {  	s4 =	sld [smem:$0x3FB1]  }
0x2a: {  	p0 =	seq.s32 s5, $0x0;
	s5 =	sld [smem:$0x3FB2]  }
0x2b: {  	s6 =	sld [smem:$0x3FB3]  }
0x2c: {  	s7 =	sld [smem:$0x3FB4]  }
0x2d: {  	s3 =	simm.s32 $0x108;
	s8 =	sld [smem:$0x3FB5]  }
0x2e: {  	s3 =	simm.s32 @!p0 $0x1082;
	s9 =	sld [smem:$0x3FB6]  }
0x2f: {  	lr =	sadd.s32 s0, s3;
	s0 =	sld [smem:$0x3FAD]  }
0x30: {  	s3 =	sld [smem:$0x3FB0]  }
0x31: {  	[smem:$0x3FB9] =	sst s10  }
0x32: {  	s10 =	sld [smem:$0x3FB7];
	_ =	sdelay $0x3  }
0x33: {  	p0 =	seq.s32 s10, $0x1;
	s10 =	sld [smem:$0x3FB9];
	_ =	sdelay $0x3  }
0x34: {  	[smem:$0x3FB9] =	sst s10  }
0x35: {  	s10 =	sld [smem:$0x3FB8];
	_ =	sdelay $0x3  }
0x36: {  	p1 =	seq.s32 s10, $0x1;
	s10 =	sld [smem:$0x3FB9];
	_ =	sdelay $0x3  }
0x37: {  	[smem:$0x3FB9] =	sst s10  }
0x38: {  	s10 =	sld [smem:$0x3FBA]  }
0x39: {  	_ = 	snop;
	(pc) =	sbr.ind lr, $3  }
0x3a: {  	_ = 	snop  }
0x3b: {  	_ = 	snop  }
0x3c: {  	p2 =	seq.s32 s10, $0x1;
	s10 =	sld [smem:$0x3FB9]  }
0x3d: {  	_ =	shalt  }
0x3e: {  	_ =	shalt  }
0x3f: {  	_ =	shalt  }
0x40: {  	_ =	shalt  }
0x41: {  	_ =	shalt  }
0x42: {  	_ =	shalt  }
0x43: {  	_ =	shalt  }
0x44: {  	_ =	shalt  }
0x45: {  	_ =	shalt  }
0x46: {  	_ =	shalt  }
0x47: {  	_ =	shalt  }
0x48: {  	_ =	shalt  }
0x49: {  	_ =	shalt  }
0x4a: {  	_ =	shalt  }
0x4b: {  	_ =	shalt  }
0x4c: {  	_ =	shalt  }
0x4d: {  	_ =	shalt  }
0x4e: {  	_ =	shalt  }
0x4f: {  	_ =	shalt  }
0x50: {  	_ =	shalt  }
0x51: {  	_ =	shalt  }
0x52: {  	_ =	shalt  }
0x53: {  	_ =	shalt  }
0x54: {  	_ =	shalt  }
0x55: {  	_ =	shalt  }
0x56: {  	_ =	shalt  }
0x57: {  	_ =	shalt  }
0x58: {  	_ =	shalt  }
0x59: {  	_ =	shalt  }
0x5a: {  	_ =	shalt  }
0x5b: {  	_ =	shalt  }
0x5c: {  	_ =	shalt  }
0x5d: {  	_ =	shalt  }
0x5e: {  	_ =	shalt  }
0x5f: {  	_ =	shalt  }
0x60: {  	_ =	shalt  }
0x61: {  	_ =	shalt  }
0x62: {  	_ =	shalt  }
0x63: {  	_ =	shalt  }
0x64: {  	_ =	shalt  }
0x65: {  	_ =	shalt  }
0x66: {  	_ =	shalt  }
0x67: {  	_ =	shalt  }
0x68: {  	_ =	shalt  }
0x69: {  	_ =	shalt  }
0x6a: {  	_ =	shalt  }
0x6b: {  	_ =	shalt  }
0x6c: {  	_ =	shalt  }
0x6d: {  	_ =	shalt  }
0x6e: {  	_ =	shalt  }
0x6f: {  	_ =	shalt  }
0x70: {  	_ =	shalt  }
0x71: {  	_ =	shalt  }
0x72: {  	_ =	shalt  }
0x73: {  	_ =	shalt  }
0x74: {  	_ =	shalt  }
0x75: {  	_ =	shalt  }
0x76: {  	_ =	shalt  }
0x77: {  	_ =	shalt  }
0x78: {  	_ =	shalt  }
0x79: {  	_ =	shalt  }
0x7a: {  	_ =	shalt  }
0x7b: {  	_ =	shalt  }
0x7c: {  	_ =	shalt  }
0x7d: {  	_ =	shalt  }
0x7e: {  	_ =	shalt  }
0x7f: {  	_ =	shalt  }
0x80: {  	_ =	shalt  }
0x81: {  	_ =	shalt  }
0x82: {  	_ =	shalt  }
0x83: {  	_ =	shalt  }
0x84: {  	_ =	shalt  }
0x85: {  	_ =	shalt  }
0x86: {  	_ =	shalt  }
0x87: {  	_ =	shalt  }
.Lfunc_end0:
.L_simem_size_0:
called_computation_lowered:
.L_overlay_start_0:
0x88: {  	s2 =	sld [smem:$0x3FD9]  }
0x89: {  	s3 =	sld [smem:$0x3FFE];
	_ =	sdelay $0x1  }
0x8a: {  	s1 =	srdreg.scid  }
0x8b: {  	s0 =	sand.u32 $0x1, s1  }
0x8c: {  	s14 =	sshll.u32 s0, $0xA;
	s2 =	sadd.s32 s3, s2  }
0x8d: {  	s2 =	sadd.s32 s2, s14  }
0x8e: {  	[smem:$0x3FC5] =	sst s2  }
0x8f: {  	_ = 	snop  }
0x90: {  	s2 =	sld [smem:$0x3FD0];
	_ =	sdelay $0x2  }
0x91: {  	s15 =	simm.s32 $0xA;
	s4 =	simm.s32 $0x10  }
0x92: {  	[smem:s4], [sflag:s15] =	dma.local [hbm:s2], $0x1  }
0x93: {  	_ =	swait.eq [sflag:s15], $0x1  }
0x94: {  	[sflag:s15] =	ssyncset.done $0x0  }
0x95: {  	s16 =	sld [smem:$0x10];
	[sflag:s15] =	ssyncadd.s32 $0xFFFFFFFF  }
0x96: {  	s17 =	sld [smem:$0x11];
	(tm) =	ssettm $0x1  }
0x97: {  	s18 =	sld [smem:$0x3FFB];
	_ =	sdelay $0x3  }
0x98: {  	_ =	strace s18  }
0x99: {  	s4 =	sld [smem:$0x3FFC];
	_ =	sdelay $0x3  }
0x9a: {  	_ =	strace s4  }
0x9b: {  	s4 =	sld [smem:$0x3FFD];
	_ =	sdelay $0x3  }
0x9c: {  	_ =	strace s4  }
0x9d: {  	_ =	strace $0x8FFFFFFF  }
0x9e: {  	s19 =	sld [smem:$0x3FDB];
	_ =	sdelay $0x1  }
0x9f: {  	s5 =	simm.s32 $_scs_section_size  }
0xa0: {  	s6 =	simm.s32 $_size__tile_overlayer_lowered;
	s7 =	simm.s32 $_tile_overlayer_lowered  }
0xa1: {  	s22 =	simm.s32 $0x1BFF;
	s21 =	sshll.u32 s7, $0x1;
	s4 =	sadd.s32 s5, s19  }
0xa2: {  	s8 =	simm.s32 $0x0;
	s20 =	sshll.u32 s6, $0x1;
	s6 =	sadd.s32 s21, s4  }
0xa3: {  	[timem:s8], [sflag:s22] =	dma.local [hbm:s6], s20  }
0xa4: {  	_ =	swait.ge [sflag:s22], s20  }
0xa5: {  	s5 =	ssub.s32 $0x0, s20;
	[sflag:s22] =	ssyncset.done $0x0  }
0xa6: {  	[sflag:s22] =	ssyncadd.s32 s5;
	_ =	sdelay $0x1  }
0xa7: {  	s23 =	simm.s32 $0x1B8B  }
0xa8: {  	_ =	swait.ge [sflag:s23], $0x1  }
0xa9: {  	[sflag:s23] =	ssyncset.done $0x0  }
0xaa: {  	s25 =	simm.s32 $0x1B8E;
	s24 =	sld [smem:$0x3FFE];
	[sflag:s23] =	ssyncadd.s32 $0xFFFFFFFF  }
0xab: {  	s26 =	simm.s32 $execute0_lowered;
	[smem:$0x3FD2] =	sst s25  }
0xac: {  	s6 =	sshll.u32 s26, $0x1;
	_ =	strace $0x80000046;
	[dreg:$0x1] =	wrdreg $0xFFFFFFFF  }
0xad: {  	s28 =	simm.s32 $_size_execute0_lowered;
	s4 =	sadd.s32 s4, s6;
	[dreg:$0x0] =	wrdreg $0x0  }
0xae: {  	s6 =	sshll.u32 s28, $0x1;
	[dreg:$0x2] =	wrdreg s4  }
0xaf: {  	[dreg:$0x3] =	wrdreg s6  }
0xb0: {  	[dreg:$0x4] =	wrdreg $0xC0  }
0xb1: {  	_ =	task [dreg:s8], $0x5FFFF  }
0xb2: {  	[dreg:$0x1] =	wrdreg $0xFFFFFFFF  }
0xb3: {  	[dreg:$0x0] =	wrdreg $0x60  }
0xb4: {  	[dreg:$0x2] =	wrdreg s24  }
0xb5: {  	[dreg:$0x3] =	wrdreg s17  }
0xb6: {  	[dreg:$0x4] =	wrdreg s16  }
0xb7: {  	[dreg:$0x5] =	wrdreg $0x9  }
0xb8: {  	_ =	task.clear_ibuf [dreg:s8], $0x6FFFF;
	_ =	strace $0x90000046  }
0xb9: {  	s29 =	simm.s32 $0x9;
	_ =	strace $0x80000048  }
0xba: {  	_ =	swait.ge [sflag:s29], $0x1  }
0xbb: {  	[sflag:s29] =	ssyncadd.s32 $0xFFFFFFFF  }
0xbc: {  	_ =	strace $0x90000048  }
0xbd: {  	_ =	sfence  }
0xbe: {  	s30 =	sld [smem:$0x0];
	_ =	sdelay $0x2  }
0xbf: {  	s31 =	sshll.u32 s1, $0xD;
	s1 =	sshrl.u32 s1, $0x2  }
0xc0: {  	s3 =	sand.u32 $0x4000, s31;
	s1 =	sadd.s32 s1, s30  }
0xc1: {  	s0 =	sor.u32 s3, s0;
	s1 =	sshll.u32 s1, $0x11  }
0xc2: {  	s0 =	sor.u32 s1, s0  }
0xc3: {  	s0 =	sadd.s32 $0x8F2B, s0  }
0xc4: {  	[sflag:s0] =	ssyncadd.remote.s32 $0x1  }
0xc5: {  	_ =	sfence.sel $0xFFFF  }
0xc6: {  	[dreg:$0x0] =	wrdreg $0xFFFFFFFF;
	(pc) =	sbr.abs _section_cstart, $3  }
0xc7: {  	[dreg:$0x1] =	wrdreg $0xFFFFFFFF  }
0xc8: {  	_ =	task.clear_ibuf [dreg:s8], $0x2FFFF;
	_ =	strace $0x9FFFFFFF  }
0xc9: {  	(tm) =	ssettm $0x7FFFFFFF  }
tec
execute0_lowered:
.L_overlay_start_1:
0x0: {  	(tag) =	ssettag $0x1  }
0x1: {  	s1 =	stileid.u32  }
0x2: {  	p0 =	sgt.u32 s1, $0xD  }
.Ltmp0:
0x3: {  	s3 =	rddreg [dreg:$0x0];
	(pc) =	sbr.rel @p0 .LBB2_5-.Ltmp0, $4  }
0x4: {  	s7 =	rddreg [dreg:$0x1]  }
0x5: {  	s5 =	rddreg [dreg:$0x2];
	s2 =	simm.s32 $0x0  }
0x6: {  	[smem:$0x7FF] =	sst s2  }
0x7: {  	s0 =	rddreg [dreg:$0x3];
	_ =	strace $0x80000047  }
0x8: {  	s4 =	srdreg.scid  }
0x9: {  	s6 =	sshll.u32 s1, $0x1;
	s4 =	sand.u32 $0x1, s4  }
0xa: {  	s6 =	sor.u32 s4, s6  }
0xb: {  	s8 =	smul.u32 $0x25, s6;
	_ =	sdelay $0x1  }
0xc: {  	s8 =	sshrl.u32 s8, $0x8  }
0xd: {  	s29 =	sadd.s32 $0x1C00, s3;
	s9 =	smul.u32 $0x7, s8  }
0xe: {  	s14 =	simm.s32 $0x2;
	s15 =	simm.s32 $0x3;
	s16 =	simm.s32 $0xF300  }
0xf: {  	s17 =	simm.s32 $0x4;
	s28 =	smul.u32 $0x5400, s8;
	s6 =	ssub.s32 s6, s9  }
0x10: {  	s12 =	ssub.s32 $0x2, s4;
	s11 =	smul.u32 $0x1500, s8;
	s6 =	sand.u32 $0xFF, s6  }
0x11: {  	s18 =	simm.s32 $0xFF00;
	s13 =	sshrl.u32 s12, $0x1;
	s10 =	smul.u32 $0xC00, s6  }
0x12: {  	s19 =	simm.s32 $0x0;
	s31 =	ssub.s32 s12, s13;
	s6 =	smul.u32 $0x300, s6  }
0x13: {  	s12 =	simm.s32 $0xC300;
	s13 =	simm.s32 $0x1;
	s8 =	smul.u32 $0x1800, s8  }
0x14: {  	s9 =	sadd.s32 s10, s28;
	s11 =	sadd.s32 s6, s11;
	s5 =	sadd.s32 s5, s6  }
0x15: {  	s6 =	sadd.s32 s29, s8;
	s8 =	smax.u32 s31, $0x1;
	s9 =	sshrl.u32 s9, $0x3  }
0x16: {  	s10 =	simm.s32 $0x1800;
	s11 =	sshrl.u32 s11, $0x3;
	s9 =	sadd.s32 s9, s3  }
0x17: {  	s30 =	sadd.s32 s11, s3;
	s7 =	sadd.s32 s7, s11;
	s11 =	simm.s32 $0xA800  }
0x18: {  	s3 =	sadd.s32 $0x8800, s9;
	s4 =	sadd.s32 $0x7C00, s30;
	s9 =	simm.s32 $0x300  }
.LBB2_2:
0x19: {  	s20 =	simm.s32 $0x0  }
0x1a: {  	[tilespmem:s20], [sflag:$0x1] =	stream.linear.gather [hbm4b:s7+s20], $0x300, $0x38;
	[tilespmem:$0x10200] =	vst v63  }
0x1b: {  	_ = 	snop  }
0x1c: {  	[tilespmem:s9], [sflag:$0x2] =	stream.linear.gather [hbm4b:s6+s20], $0xC000, $0x38;
	[tilespmem:$0x10200] =	vst v63  }
0x1d: {  	_ = 	snop  }
0x1e: {  	[tilespmem:s12], [sflag:$0x3] =	stream.strided.gather [hbm4b:s5+s10], $0x3000, s11, s10, $0x38;
	[tilespmem:$0x10200] =	vst v63  }
0x1f: {  	_ =	swait.ge [sflag:s13], $0x300  }
0x20: {  	[sflag:s13] =	ssyncset.done $0x0  }
0x21: {  	[sflag:s13] =	ssyncadd.s32 $0xFFFFFD00  }
0x22: {  	_ =	swait.ge [sflag:s14], $0xC000  }
0x23: {  	[sflag:s14] =	ssyncset.done $0x0  }
0x24: {  	[sflag:s14] =	ssyncadd.s32 $0xFFFF4000  }
0x25: {  	_ =	swait.ge [sflag:s15], $0x3000  }
0x26: {  	[sflag:s15] =	ssyncset.done $0x0  }
0x27: {  	[sflag:s15] =	ssyncadd.s32 $0xFFFFD000  }
0x28: {  	v0 =	vld [tilespmem:s20+$0x0];
	_ =	sdelay $0x4  }
0x29: {  	v0 =	vshll.u32 v0, $0x7  }
0x2a: {  	s21 =	simm.s32 $0x0  }
0x2b: {  	s22 =	sand.u32 $0x70, s20;
	s21 =	sand.u32 $0x3FFFFC00, s21  }
0x2c: {  	s21 =	sor.u32 s22, s21  }
0x2d: {  	v2 =	vld [tilespmem:s21+$0xDB00]  }
0x2e: {  	v1 =	vld.idx.msk [tilespmem:v0+s9+$0x0], $0xffff;
	_ =	sdelay $0x1  }
0x2f: {  	v3 =	vld [tilespmem:s21+$0xC300];
	_ =	sdelay $0x2  }
0x30: {  	v1 =	vmul.f32 v2, v1;
	v2 =	vor.u32 $0x1, v0  }
0x31: {  	s23 =	simm.s32 $0x0  }
0x32: {  	s23 =	sand.u32 $0x3FFFFE00, s23;
	v1 =	vadd.f32 v1, v3  }
0x33: {  	s22 =	sor.u32 s22, s23  }
0x34: {  	[tilespmem:s22+$0xF300] =	vst v1  }
0x35: {  	v1 =	vld.idx.msk [tilespmem:v2+s9+$0x0], $0xffff  }
0x36: {  	v2 =	vld [tilespmem:s21+$0xDB80];
	_ =	sdelay $0x1  }
0x37: {  	v3 =	vld [tilespmem:s21+$0xC380];
	_ =	sdelay $0x2  }
0x38: {  	v1 =	vmul.f32 v2, v1;
	v2 =	vor.u32 $0x2, v0;
	_ =	sdelay $0x1  }
0x39: {  	v1 =	vadd.f32 v1, v3;
	_ =	sdelay $0x1  }
0x3a: {  	[tilespmem:s22+$0xF380] =	vst v1  }
0x3b: {  	v1 =	vld.idx.msk [tilespmem:v2+s9+$0x0], $0xffff  }
0x3c: {  	v2 =	vld [tilespmem:s21+$0xDC00];
	_ =	sdelay $0x1  }
0x3d: {  	v3 =	vld [tilespmem:s21+$0xC400];
	_ =	sdelay $0x2  }
0x3e: {  	v1 =	vmul.f32 v2, v1;
	v2 =	vor.u32 $0x3, v0;
	_ =	sdelay $0x1  }
0x3f: {  	v1 =	vadd.f32 v1, v3;
	_ =	sdelay $0x1  }
0x40: {  	[tilespmem:s22+$0xF400] =	vst v1  }
0x41: {  	v1 =	vld.idx.msk [tilespmem:v2+s9+$0x0], $0xffff  }
0x42: {  	v2 =	vld [tilespmem:s21+$0xDC80];
	_ =	sdelay $0x1  }
0x43: {  	v3 =	vld [tilespmem:s21+$0xC480];
	_ =	sdelay $0x2  }
0x44: {  	v0 =	vor.u32 $0x4, v0;
	v1 =	vmul.f32 v2, v1;
	_ =	sdelay $0x1  }
0x45: {  	v1 =	vadd.f32 v1, v3;
	_ =	sdelay $0x1  }
0x46: {  	[tilespmem:s22+$0xF480] =	vst v1  }
0x47: {  	s23 =	simm.s32 $0x0;
	s21 =	simm.s32 $0x1;
	s22 =	simm.s32 $0xFF00;
	v0 =	vld.idx.msk [tilespmem:v0+s9+$0x0], $0xffff  }
.LBB2_3:
0x48: {  	_ =	sdelay $0x3  }
0x49: {  	s20 =	sadd.s32 $0x10, s20;
	s23 =	sadd.s32 $0x10, s23;
	[tilespmem:s22+$0x0] =	vst v0;
	s22 =	sadd.s32 $0x10, s22  }
0x4a: {  	p0 =	sne.s32 s21, $0x2F;
	s24 =	smov.u32 s21;
	s21 =	sadd.s32 $0x1, s21;
	v0 =	vld [tilespmem:s20+$0x0]  }
0x4b: {  	_ =	sdelay $0x3  }
0x4c: {  	v0 =	vshll.u32 v0, $0x7;
	_ =	sdelay $0x2  }
0x4d: {  	s25 =	sshll.u32 s24, $0x7  }
0x4e: {  	s26 =	sand.u32 $0x70, s23;
	s25 =	sand.u32 $0x3FFFFC00, s25  }
0x4f: {  	s25 =	sor.u32 s26, s25;
	v1 =	vld.idx.msk [tilespmem:v0+s9+$0x0], $0xffff  }
0x50: {  	v2 =	vld [tilespmem:s25+$0xDB00];
	_ =	sdelay $0x1  }
0x51: {  	v3 =	vld [tilespmem:s25+$0xC300];
	_ =	sdelay $0x2  }
0x52: {  	v1 =	vmul.f32 v2, v1;
	v2 =	vor.u32 $0x1, v0  }
0x53: {  	s24 =	sshll.u32 s24, $0x6  }
0x54: {  	s24 =	sand.u32 $0x3FFFFE00, s24;
	v1 =	vadd.f32 v1, v3  }
0x55: {  	s24 =	sor.u32 s26, s24  }
0x56: {  	[tilespmem:s24+$0xF300] =	vst v1  }
0x57: {  	v1 =	vld.idx.msk [tilespmem:v2+s9+$0x0], $0xffff  }
0x58: {  	v2 =	vld [tilespmem:s25+$0xDB80];
	_ =	sdelay $0x1  }
0x59: {  	v3 =	vld [tilespmem:s25+$0xC380];
	_ =	sdelay $0x2  }
0x5a: {  	v1 =	vmul.f32 v2, v1;
	v2 =	vor.u32 $0x2, v0;
	_ =	sdelay $0x1  }
0x5b: {  	v1 =	vadd.f32 v1, v3;
	_ =	sdelay $0x1  }
0x5c: {  	[tilespmem:s24+$0xF380] =	vst v1  }
0x5d: {  	v1 =	vld.idx.msk [tilespmem:v2+s9+$0x0], $0xffff  }
0x5e: {  	v2 =	vld [tilespmem:s25+$0xDC00];
	_ =	sdelay $0x1  }
0x5f: {  	v3 =	vld [tilespmem:s25+$0xC400];
	_ =	sdelay $0x2  }
0x60: {  	v1 =	vmul.f32 v2, v1;
	v2 =	vor.u32 $0x3, v0;
	_ =	sdelay $0x1  }
0x61: {  	v1 =	vadd.f32 v1, v3;
	_ =	sdelay $0x1  }
0x62: {  	[tilespmem:s24+$0xF400] =	vst v1  }
0x63: {  	v1 =	vld.idx.msk [tilespmem:v2+s9+$0x0], $0xffff  }
0x64: {  	v2 =	vld [tilespmem:s25+$0xDC80];
	_ =	sdelay $0x1  }
0x65: {  	v3 =	vld [tilespmem:s25+$0xC480];
	_ =	sdelay $0x2  }
0x66: {  	v0 =	vor.u32 $0x4, v0;
	v1 =	vmul.f32 v2, v1  }
.Ltmp1:
0x67: {  	(pc) =	sbr.rel @p0 .LBB2_3-.Ltmp1, $3  }
0x68: {  	v1 =	vadd.f32 v1, v3;
	_ =	sdelay $0x1  }
0x69: {  	[tilespmem:s24+$0xF480] =	vst v1  }
0x6a: {  	v0 =	vld.idx.msk [tilespmem:v0+s9+$0x0], $0xffff  }
0x6b: {  	_ =	sdelay $0x3  }
0x6c: {  	[tilespmem:s22+$0x0] =	vst v0  }
0x6d: {  	[hbm4b:s3+s2] =	stream.linear.scatter [tilespmem:s16], [sflag:$0x4], $0xC00, $0x38;
	[tilespmem:$0x10200] =	vst v63  }
0x6e: {  	s19 =	sadd.s32 $0x1, s19;
	_ =	swait.ge [sflag:s17], $0xC00  }
0x6f: {  	p0 =	sne.s32 s19, s8;
	[sflag:s17] =	ssyncset.done $0x0  }
.Ltmp2:
0x70: {  	[sflag:s17] =	ssyncadd.s32 $0xFFFFF400;
	(pc) =	sbr.rel @p0 .LBB2_2-.Ltmp2, $4  }
0x71: {  	[hbm4b:s4+s2] =	stream.linear.scatter [tilespmem:s18], [sflag:$0x4], $0x300, $0x38;
	[tilespmem:$0x10200] =	vst v63  }
0x72: {  	_ =	swait.ge [sflag:s17], $0x300  }
0x73: {  	[sflag:s17] =	ssyncset.done $0x0  }
0x74: {  	[sflag:s17] =	ssyncadd.s32 $0xFFFFFD00  }
.LBB2_5:
0x75: {  	_ =	sfence.sel $0x180000  }
0x76: {  	[bflag:$0x0] =	sbarrier.arrive $0xFFFF  }
0x77: {  	p0 =	sne.s32 s1, $0x0;
	_ =	strace $0x90000047  }
0x78: {  	s0 =	sadd.s32 @!p0 $0x100000, s0;
	[bflag:$0x2] =	sbarrier.arrive $0xFFFF  }
0x79: {  	[sflag:s0] =	ssyncadd.tile.s32 @!p0 $0x1;
	_ =	shalt  }
.Lfunc_end2:
_tile_overlayer_lowered:
.L_overlay_start_2:
0x7a: {  	(tag) =	ssettag $0x2  }
0x7b: {  	s0 =	rddreg [dreg:$0x0];
	s2 =	stileid.u32  }
0x7c: {  	s1 =	rddreg [dreg:$0x1];
	p0 =	sne.s32 s2, $0x0  }
0x7d: {  	s3 =	rddreg [dreg:$0x2];
	[bflag:$0x3] =	sbarrier.arrive $0xFFFF;
	s2 =	simm.s32 @!p0 $0x1C04  }
0x7e: {  	[timem:s3], [sflag:s2] =	dma.local @!p0 [hbm:s0], s1  }
0x7f: {  	s0 =	simm.s32 @!p0 $0x4  }
0x80: {  	_ =	swait.ge @!p0 [sflag:s0], s1  }
0x81: {  	s1 =	ssub.s32 @!p0 $0x0, s1;
	[sflag:s0] =	ssyncset.done @!p0 $0x0  }
0x82: {  	[sflag:s0] =	ssyncadd.s32 @!p0 s1  }
0x83: {  	[bflag:$0x3] =	sbarrier.arrive $0xFFFF  }
0x84: {  	_ =	shalt  }

</sc_bundles>
